<compile_context>
chip_gen: v7x
topology: tpu7x:2x2x1
jax: 0.10.2.dev20260603
libtpu: 0.0.44.dev20260713+nightly
codegen_flags: <defaults>
</compile_context>

<pallas_src>
import functools

import jax
import jax.numpy as jnp
from jax import lax
from jax.experimental import pallas as pl
from jax.experimental.pallas import tpu as pltpu
from jax.experimental.pallas import tpu_sc as plsc

STRIDE_F = 8.0
N_CLS_K = 80
NB, NH, NW = 8, 128, 128
NLOC = NH * NW
NSPLIT = 1
R = NLOC // NSPLIT
BH = NH // NSPLIT

NWORK = 32
BBOX_WORDS = NB * NH * 4 * NW
WPW = BBOX_WORDS // NWORK
HPW = WPW // (4 * NW)


def _sigmoid(x):
    return 1.0 / (1.0 + jnp.exp(-x))


def _rows_to_lanes(x):
    return jnp.concatenate([x[g:g + 1, :] for g in range(BH)], axis=1)


def _tc_body(hw_ref, center_ref, cls_ref, idx_ref, conf_ref):
    b = pl.program_id(1)

    logits = cls_ref[0]
    m = jnp.max(logits, axis=1)
    ii = lax.broadcasted_iota(jnp.int32, (BH, N_CLS_K, NW), 1)
    hit = logits == m[:, None, :]
    idx = jnp.min(jnp.where(hit, ii, N_CLS_K), axis=1)
    idx_ref[pl.ds(b, 1), :] = _rows_to_lanes(idx)

    c = center_ref[0]
    conf = jnp.sqrt(_sigmoid(c) * _sigmoid(m))
    conf_ref[pl.ds(b, 1), :] = _rows_to_lanes(conf)


def _sc_body(bbox_hbm, wv_hbm, hv_hbm, out_hbm, bin_v, bout_v, wv_v, hv_v):
    cid = lax.axis_index("c")
    sid = lax.axis_index("s")
    wid = sid * 2 + cid
    base = wid * WPW
    pltpu.sync_copy(bbox_hbm.at[pl.ds(base, WPW)], bin_v)
    pltpu.sync_copy(wv_hbm, wv_v)
    pltpu.sync_copy(hv_hbm, hv_v)
    w_b = wv_v[...]
    h_b = hv_v[...]
    lanes = lax.broadcasted_iota(jnp.int32, (16,), 0)
    zero = jnp.zeros((16,), jnp.float32)
    h0 = (wid % 4) * HPW

    def chunk(i, _):
        h = i >> 3
        wc = i & 7
        xo = wc * 16
        hrow = h * (4 * NW)
        yc = (h0 + h).astype(jnp.float32) * STRIDE_F + STRIDE_F / 2.0
        yv = jnp.zeros((16,), jnp.float32) + yc
        xv = (xo + lanes).astype(jnp.float32) * STRIDE_F + STRIDE_F / 2.0
        o_l = hrow + 0 * NW + xo
        o_t = hrow + 1 * NW + xo
        o_r = hrow + 2 * NW + xo
        o_b = hrow + 3 * NW + xo
        p_l = jnp.exp(bin_v[pl.ds(o_l, 16)]) * STRIDE_F
        p_t = jnp.exp(bin_v[pl.ds(o_t, 16)]) * STRIDE_F
        p_r = jnp.exp(bin_v[pl.ds(o_r, 16)]) * STRIDE_F
        p_b = jnp.exp(bin_v[pl.ds(o_b, 16)]) * STRIDE_F
        x1 = jnp.minimum(jnp.maximum(xv - p_l, zero), w_b)
        y1 = jnp.minimum(jnp.maximum(yv - p_t, zero), h_b)
        x2 = jnp.minimum(jnp.maximum(xv + p_r, zero), w_b)
        y2 = jnp.minimum(jnp.maximum(yv + p_b, zero), h_b)
        bout_v[pl.ds(o_l, 16)] = (x1 + x2) * 0.5
        bout_v[pl.ds(o_t, 16)] = (y1 + y2) * 0.5
        bout_v[pl.ds(o_r, 16)] = x2 - x1
        bout_v[pl.ds(o_b, 16)] = y2 - y1
        return 0

    lax.fori_loop(0, HPW * 8, chunk, 0, unroll=4)
    pltpu.sync_copy(bout_v, out_hbm.at[pl.ds(base, WPW)])


def kernel(bbox, center, cls_logits, img_h, img_w):
    nB, nH, nW, _ = bbox.shape
    cls_t = cls_logits.transpose(0, 1, 3, 2)
    center_sq = center.reshape(nB, nH, nW)
    hw = jnp.stack([jnp.asarray(img_h, jnp.int32), jnp.asarray(img_w, jnp.int32)])
    wvec = jnp.full((16,), jnp.asarray(img_w, jnp.float32))
    hvec = jnp.full((16,), jnp.asarray(img_h, jnp.float32))
    bbox_flat = bbox.transpose(0, 1, 3, 2).reshape(BBOX_WORDS)

    sc_decode = pl.kernel(
        _sc_body,
        out_type=jax.ShapeDtypeStruct((BBOX_WORDS,), jnp.float32),
        mesh=plsc.VectorSubcoreMesh(core_axis_name="c", subcore_axis_name="s"),
        scratch_types=[
            pltpu.VMEM((WPW,), jnp.float32),
            pltpu.VMEM((WPW,), jnp.float32),
            pltpu.VMEM((16,), jnp.float32),
            pltpu.VMEM((16,), jnp.float32),
        ],
    )
    xywh_flat = sc_decode(bbox_flat, wvec, hvec)
    xywh = (
        xywh_flat.reshape(nB, nH, 4, nW)
        .transpose(0, 1, 3, 2)
        .reshape(nB, NLOC, 4)
    )

    grid = (NSPLIT, nB)
    idx, conf = pl.pallas_call(
        _tc_body,
        grid=grid,
        in_specs=[
            pl.BlockSpec(memory_space=pltpu.SMEM),
            pl.BlockSpec((1, BH, NW), lambda r, b: (b, r, 0)),
            pl.BlockSpec((1, BH, N_CLS_K, NW), lambda r, b: (b, r, 0, 0)),
        ],
        out_specs=[
            pl.BlockSpec((NB, R), lambda r, b: (0, r)),
            pl.BlockSpec((NB, R), lambda r, b: (0, r)),
        ],
        out_shape=[
            jax.ShapeDtypeStruct((nB, NLOC), jnp.int32),
            jax.ShapeDtypeStruct((nB, NLOC), jnp.float32),
        ],
        compiler_params=pltpu.CompilerParams(
            dimension_semantics=("parallel", "arbitrary"),
        ),
    )(hw, center_sq, cls_t)

    return (xywh, idx, conf)

# --- scband reference (transcript-rebuilt; emitter-appended) ---
"""Pipeline reference for scband-fcoslayer-15418932592946 (READ-ONLY COPY).

The authoritative reference and input builder live on the scoring server;
editing this copy changes nothing except your own understanding.
"""

import jax, jax.numpy as jnp
import numpy as np

STRIDE = 8
N_CLS = 80

def setup_inputs(seed: int = 0) -> dict:
    key = jax.random.key(seed)
    k1, k2, k3 = jax.random.split(key, 3)
    nB, nH, nW = 8, 128, 128
    bbox = jax.random.normal(k1, (nB, nH, nW, 4), dtype=jnp.float32)
    center = jax.random.normal(k2, (nB, nH, nW, 1), dtype=jnp.float32)
    cls_logits = jax.random.normal(k3, (nB, nH, nW, N_CLS), dtype=jnp.float32)
    return {"bbox": bbox, "center": center, "cls_logits": cls_logits, "img_h": 1024, "img_w": 1024}

def reference(bbox, center, cls_logits, img_h, img_w):
    stride = STRIDE
    nB, nH, nW, _ = bbox.shape
    # ltrb_setting = 'exp_sl1' -> exponential decode
    p_ltrb = jnp.exp(bbox) * stride
    y_ = (jnp.arange(nH, dtype=jnp.float32) * stride + stride / 2.0).reshape(1, nH, 1)
    x_ = (jnp.arange(nW, dtype=jnp.float32) * stride + stride / 2.0).reshape(1, 1, nW)
    img_w_f = jnp.asarray(img_w).astype(jnp.float32)
    img_h_f = jnp.asarray(img_h).astype(jnp.float32)
    # ltrb -> x1y1x2y2 with clamping to image bounds
    x1 = jnp.clip(x_ - p_ltrb[..., 0], 0.0, img_w_f)
    y1 = jnp.clip(y_ - p_ltrb[..., 1], 0.0, img_h_f)
    x2 = jnp.clip(x_ + p_ltrb[..., 2], 0.0, img_w_f)
    y2 = jnp.clip(y_ + p_ltrb[..., 3], 0.0, img_h_f)
    # xyxy -> cxcywh
    cx = (x1 + x2) / 2.0
    cy = (y1 + y2) / 2.0
    w = x2 - x1
    h = y2 - y1
    p_xywh = jnp.stack([cx, cy, w, h], axis=-1)
    p_center = jax.nn.sigmoid(center)
    p_cls = jax.nn.sigmoid(cls_logits)
    cls_score = jnp.max(p_cls, axis=3, keepdims=True)
    cls_idx = jnp.argmax(p_cls, axis=3)
    confs = jnp.sqrt(p_center * cls_score)
    return (
        p_xywh.reshape(nB, nH * nW, 4),
        cls_idx.reshape(nB, nH * nW),
        confs.reshape(nB, nH * nW),
    )

if __name__ == "__main__":
    import jax
    _d = setup_inputs()
    print(jax.jit(kernel)(*tuple(_d.values())))

</pallas_src>

<mosaic_0001>
#map = affine_map<(d0, d1) -> (0)>
module attributes {stable_mosaic.version = 14 : i64} {
  func.func @_sc_body(%arg0: i32, %arg1: i32, %arg2: memref<524288xf32, #tpu.memory_space<hbm>>, %arg3: memref<16xf32, #tpu.memory_space<hbm>>, %arg4: memref<16xf32, #tpu.memory_space<hbm>>, %arg5: memref<524288xf32, #tpu.memory_space<hbm>>, %arg6: memref<16384xf32, #tpu.memory_space<vmem>>, %arg7: memref<16384xf32, #tpu.memory_space<vmem>>, %arg8: memref<16xf32, #tpu.memory_space<vmem>>, %arg9: memref<16xf32, #tpu.memory_space<vmem>>) attributes {dimension_semantics = [#tpu.dimension_semantics<core_parallel>, #tpu.dimension_semantics<subcore_parallel>], iteration_bounds = array<i64: 2, 16>, scalar_prefetch = 0 : i64, scratch_operands = 4 : i64, tpu.core_type = #tpu.core_type<sc_vector_subcore>, window_params = [{transform_indices = #map}, {transform_indices = #map}, {transform_indices = #map}, {transform_indices = #map}]} {
    %mul3A = arith.constant 2 : i32
    %mul3A_0 = arith.muli %arg1, %mul3A : i32
    %add3A = arith.addi %mul3A_0, %arg0 : i32
    %mul3A_1 = arith.constant 16384 : i32
    %mul3A_2 = arith.muli %add3A, %mul3A_1 : i32
    "tpu.region"() ({
      %run_scoped3A = tpu.sem_alloc : memref<!tpu.dma_semaphore, #tpu.memory_space<semaphore_mem>>
      %dma_start3A = tpu.memref_slice %arg2[%mul3A_2] : memref<524288xf32, #tpu.memory_space<hbm>> -> memref<16384xf32, #tpu.memory_space<hbm>>
      %dma_start3A_26 = tpu.memref_slice %arg2[%mul3A_2] : memref<524288xf32, #tpu.memory_space<hbm>> -> memref<16384xf32, #tpu.memory_space<hbm>>
      tpu.enqueue_dma source(%dma_start3A_26 : memref<16384xf32, #tpu.memory_space<hbm>>) target(%arg6 : memref<16384xf32, #tpu.memory_space<vmem>>) target_semaphore(%run_scoped3A : memref<!tpu.dma_semaphore, #tpu.memory_space<semaphore_mem>>)
      %dma_wait3A = tpu.memref_slice %arg2[%mul3A_2] : memref<524288xf32, #tpu.memory_space<hbm>> -> memref<16384xf32, #tpu.memory_space<hbm>>
      %dma_wait3A_27 = tpu.memref_slice %arg2[%mul3A_2] : memref<524288xf32, #tpu.memory_space<hbm>> -> memref<16384xf32, #tpu.memory_space<hbm>>
      tpu.wait_dma2 semaphore(%run_scoped3A : memref<!tpu.dma_semaphore, #tpu.memory_space<semaphore_mem>>) src(%dma_wait3A_27 : memref<16384xf32, #tpu.memory_space<hbm>>) dst(%arg6 : memref<16384xf32, #tpu.memory_space<vmem>>)
      tpu.yield
    }) : () -> ()
    "tpu.region"() ({
      %run_scoped3A = tpu.sem_alloc : memref<!tpu.dma_semaphore, #tpu.memory_space<semaphore_mem>>
      tpu.enqueue_dma source(%arg3 : memref<16xf32, #tpu.memory_space<hbm>>) target(%arg8 : memref<16xf32, #tpu.memory_space<vmem>>) target_semaphore(%run_scoped3A : memref<!tpu.dma_semaphore, #tpu.memory_space<semaphore_mem>>)
      tpu.wait_dma2 semaphore(%run_scoped3A : memref<!tpu.dma_semaphore, #tpu.memory_space<semaphore_mem>>) src(%arg3 : memref<16xf32, #tpu.memory_space<hbm>>) dst(%arg8 : memref<16xf32, #tpu.memory_space<vmem>>)
      tpu.yield
    }) : () -> ()
    "tpu.region"() ({
      %run_scoped3A = tpu.sem_alloc : memref<!tpu.dma_semaphore, #tpu.memory_space<semaphore_mem>>
      tpu.enqueue_dma source(%arg4 : memref<16xf32, #tpu.memory_space<hbm>>) target(%arg9 : memref<16xf32, #tpu.memory_space<vmem>>) target_semaphore(%run_scoped3A : memref<!tpu.dma_semaphore, #tpu.memory_space<semaphore_mem>>)
      tpu.wait_dma2 semaphore(%run_scoped3A : memref<!tpu.dma_semaphore, #tpu.memory_space<semaphore_mem>>) src(%arg4 : memref<16xf32, #tpu.memory_space<hbm>>) dst(%arg9 : memref<16xf32, #tpu.memory_space<vmem>>)
      tpu.yield
    }) : () -> ()
    %get3A = arith.constant 0 : index
    %get3A_3 = tpu.vector_load %arg8[%get3A] {strides = array<i32>} : memref<16xf32, #tpu.memory_space<vmem>>, vector<16xf32>,
    %get3A_4 = vector.shape_cast %get3A_3 : vector<16xf32> to vector<16xf32>
    %get3A_5 = arith.constant 0 : index
    %get3A_6 = tpu.vector_load %arg9[%get3A_5] {strides = array<i32>} : memref<16xf32, #tpu.memory_space<vmem>>, vector<16xf32>,
    %get3A_7 = vector.shape_cast %get3A_6 : vector<16xf32> to vector<16xf32>
    %iota3A = tpu.iota {dimensions = array<i32: 0>} : vector<16xi32>
    %broadcast_in_dim3A = arith.constant 0.000000e+00 : f32
    %broadcast_in_dim3A_8 = vector.broadcast %broadcast_in_dim3A : f32 to vector<16xf32>
    %jit3A = arith.constant 4 : i32
    %eq3A = arith.constant 0 : i32
    %eq3A_9 = arith.cmpi eq, %jit3A, %eq3A : i32
    %jit3A_10 = arith.constant 1 : i32
    %select_n3A = arith.select %eq3A_9, %jit3A_10, %jit3A : i32
    %rem3A = arith.remsi %add3A, %select_n3A : i32
    %ne3A = arith.constant 0 : i32
    %ne3A_11 = arith.cmpi ne, %rem3A, %ne3A : i32
    %lt3A = arith.constant 0 : i32
    %lt3A_12 = arith.cmpi slt, %rem3A, %lt3A : i32
    %lt3A_13 = arith.constant 0 : i32
    %lt3A_14 = arith.cmpi slt, %select_n3A, %lt3A_13 : i32
    %ne3A_15 = arith.xori %lt3A_12, %lt3A_14 : i1
    %and3A = arith.andi %ne3A_15, %ne3A_11 : i1
    %add3A_16 = arith.addi %rem3A, %select_n3A : i32
    %select_n3A_17 = arith.select %and3A, %add3A_16, %rem3A : i32
    %mul3A_18 = arith.constant 32 : i32
    %mul3A_19 = arith.muli %select_n3A_17, %mul3A_18 : i32
    %scan3A = arith.constant 0 : i32
    %scan3A_20 = arith.constant 0 : i32
    %scan3A_21 = arith.constant 256 : i32
    %scan3A_22 = arith.addi %scan3A_20, %scan3A_21 : i32
    %scan3A_23 = arith.constant 4 : i32
    %scan3A_24 = scf.for %scan3A_26 = %scan3A_20 to %scan3A_22 step %scan3A_23 iter_args(%scan3A_27 = %scan3A) -> (i32)  : i32 {
      %shift_right_arithmetic3A = arith.constant 3 : i32
      %shift_right_arithmetic3A_28 = arith.shrsi %scan3A_26, %shift_right_arithmetic3A : i32
      %and3A_29 = arith.constant 7 : i32
      %and3A_30 = arith.andi %scan3A_26, %and3A_29 : i32
      %mul3A_31 = arith.constant 16 : i32
      %mul3A_32 = arith.muli %and3A_30, %mul3A_31 : i32
      %mul3A_33 = arith.constant 512 : i32
      %mul3A_34 = arith.muli %shift_right_arithmetic3A_28, %mul3A_33 : i32
      %add3A_35 = arith.addi %mul3A_19, %shift_right_arithmetic3A_28 : i32
      %convert_element_type3A = arith.sitofp %add3A_35 : i32 to f32
      %mul3A_36 = arith.constant 8.000000e+00 : f32
      %mul3A_37 = arith.mulf %convert_element_type3A, %mul3A_36 : f32
      %add3A_38 = arith.constant 4.000000e+00 : f32
      %add3A_39 = arith.addf %mul3A_37, %add3A_38 : f32
      %broadcast_in_dim3A_40 = arith.constant 0.000000e+00 : f32
      %broadcast_in_dim3A_41 = vector.broadcast %broadcast_in_dim3A_40 : f32 to vector<16xf32>
      %add3A_42 = vector.broadcast %add3A_39 : f32 to vector<16xf32>
      %add3A_43 = arith.addf %broadcast_in_dim3A_41, %add3A_42 : vector<16xf32>
      %add3A_44 = vector.broadcast %mul3A_32 : i32 to vector<16xi32>
      %add3A_45 = arith.addi %add3A_44, %iota3A : vector<16xi32>
      %convert_element_type3A_46 = arith.sitofp %add3A_45 : vector<16xi32> to vector<16xf32>
      %mul3A_47 = arith.constant 8.000000e+00 : f32
      %mul3A_48 = vector.broadcast %mul3A_47 : f32 to vector<16xf32>
      %mul3A_49 = arith.mulf %convert_element_type3A_46, %mul3A_48 : vector<16xf32>
      %add3A_50 = arith.constant 4.000000e+00 : f32
      %add3A_51 = vector.broadcast %add3A_50 : f32 to vector<16xf32>
      %add3A_52 = arith.addf %mul3A_49, %add3A_51 : vector<16xf32>
      %add3A_53 = arith.constant 0 : i32
      %add3A_54 = arith.addi %mul3A_34, %add3A_53 : i32
      %add3A_55 = arith.addi %add3A_54, %mul3A_32 : i32
      %add3A_56 = arith.constant 128 : i32
      %add3A_57 = arith.addi %mul3A_34, %add3A_56 : i32
      %add3A_58 = arith.addi %add3A_57, %mul3A_32 : i32
      %add3A_59 = arith.constant 256 : i32
      %add3A_60 = arith.addi %mul3A_34, %add3A_59 : i32
      %add3A_61 = arith.addi %add3A_60, %mul3A_32 : i32
      %add3A_62 = arith.constant 384 : i32
      %add3A_63 = arith.addi %mul3A_34, %add3A_62 : i32
      %add3A_64 = arith.addi %add3A_63, %mul3A_32 : i32
      %get3A_65 = arith.index_cast %add3A_55 : i32 to index
      %get3A_66 = tpu.vector_load %arg6[%get3A_65] {strides = array<i32>} : memref<16384xf32, #tpu.memory_space<vmem>>, vector<16xf32>,
      %get3A_67 = vector.shape_cast %get3A_66 : vector<16xf32> to vector<16xf32>
      %exp3A = math.exp %get3A_67 : vector<16xf32>
      %mul3A_68 = arith.constant 8.000000e+00 : f32
      %mul3A_69 = vector.broadcast %mul3A_68 : f32 to vector<16xf32>
      %mul3A_70 = arith.mulf %exp3A, %mul3A_69 : vector<16xf32>
      %get3A_71 = arith.index_cast %add3A_58 : i32 to index
      %get3A_72 = tpu.vector_load %arg6[%get3A_71] {strides = array<i32>} : memref<16384xf32, #tpu.memory_space<vmem>>, vector<16xf32>,
      %get3A_73 = vector.shape_cast %get3A_72 : vector<16xf32> to vector<16xf32>
      %exp3A_74 = math.exp %get3A_73 : vector<16xf32>
      %mul3A_75 = arith.constant 8.000000e+00 : f32
      %mul3A_76 = vector.broadcast %mul3A_75 : f32 to vector<16xf32>
      %mul3A_77 = arith.mulf %exp3A_74, %mul3A_76 : vector<16xf32>
      %get3A_78 = arith.index_cast %add3A_61 : i32 to index
      %get3A_79 = tpu.vector_load %arg6[%get3A_78] {strides = array<i32>} : memref<16384xf32, #tpu.memory_space<vmem>>, vector<16xf32>,
      %get3A_80 = vector.shape_cast %get3A_79 : vector<16xf32> to vector<16xf32>
      %exp3A_81 = math.exp %get3A_80 : vector<16xf32>
      %mul3A_82 = arith.constant 8.000000e+00 : f32
      %mul3A_83 = vector.broadcast %mul3A_82 : f32 to vector<16xf32>
      %mul3A_84 = arith.mulf %exp3A_81, %mul3A_83 : vector<16xf32>
      %get3A_85 = arith.index_cast %add3A_64 : i32 to index
      %get3A_86 = tpu.vector_load %arg6[%get3A_85] {strides = array<i32>} : memref<16384xf32, #tpu.memory_space<vmem>>, vector<16xf32>,
      %get3A_87 = vector.shape_cast %get3A_86 : vector<16xf32> to vector<16xf32>
      %exp3A_88 = math.exp %get3A_87 : vector<16xf32>
      %mul3A_89 = arith.constant 8.000000e+00 : f32
      %mul3A_90 = vector.broadcast %mul3A_89 : f32 to vector<16xf32>
      %mul3A_91 = arith.mulf %exp3A_88, %mul3A_90 : vector<16xf32>
      %sub3A = arith.subf %add3A_52, %mul3A_70 : vector<16xf32>
      %max3A = arith.maximumf %sub3A, %broadcast_in_dim3A_8 : vector<16xf32>
      %min3A = arith.minimumf %max3A, %get3A_4 : vector<16xf32>
      %sub3A_92 = arith.subf %add3A_43, %mul3A_77 : vector<16xf32>
      %max3A_93 = arith.maximumf %sub3A_92, %broadcast_in_dim3A_8 : vector<16xf32>
      %min3A_94 = arith.minimumf %max3A_93, %get3A_7 : vector<16xf32>
      %add3A_95 = arith.addf %add3A_52, %mul3A_84 : vector<16xf32>
      %max3A_96 = arith.maximumf %add3A_95, %broadcast_in_dim3A_8 : vector<16xf32>
      %min3A_97 = arith.minimumf %max3A_96, %get3A_4 : vector<16xf32>
      %add3A_98 = arith.addf %add3A_43, %mul3A_91 : vector<16xf32>
      %max3A_99 = arith.maximumf %add3A_98, %broadcast_in_dim3A_8 : vector<16xf32>
      %min3A_100 = arith.minimumf %max3A_99, %get3A_7 : vector<16xf32>
      %add3A_101 = arith.addf %min3A, %min3A_97 : vector<16xf32>
      %mul3A_102 = arith.constant 5.000000e-01 : f32
      %mul3A_103 = vector.broadcast %mul3A_102 : f32 to vector<16xf32>
      %mul3A_104 = arith.mulf %add3A_101, %mul3A_103 : vector<16xf32>
      %swap3A = arith.index_cast %add3A_55 : i32 to index
      %swap3A_105 = tpu.vector_load %arg7[%swap3A] {strides = array<i32>} : memref<16384xf32, #tpu.memory_space<vmem>>, vector<16xf32>,
      %swap3A_106 = vector.shape_cast %swap3A_105 : vector<16xf32> to vector<16xf32>
      %swap3A_107 = vector.shape_cast %mul3A_104 : vector<16xf32> to vector<16xf32>
      tpu.vector_store %arg7[%swap3A], %swap3A_107 {strides = array<i32>} : memref<16384xf32, #tpu.memory_space<vmem>>, vector<16xf32>,
      %add3A_108 = arith.addf %min3A_94, %min3A_100 : vector<16xf32>
      %mul3A_109 = arith.constant 5.000000e-01 : f32
      %mul3A_110 = vector.broadcast %mul3A_109 : f32 to vector<16xf32>
      %mul3A_111 = arith.mulf %add3A_108, %mul3A_110 : vector<16xf32>
      %swap3A_112 = arith.index_cast %add3A_58 : i32 to index
      %swap3A_113 = tpu.vector_load %arg7[%swap3A_112] {strides = array<i32>} : memref<16384xf32, #tpu.memory_space<vmem>>, vector<16xf32>,
      %swap3A_114 = vector.shape_cast %swap3A_113 : vector<16xf32> to vector<16xf32>
      %swap3A_115 = vector.shape_cast %mul3A_111 : vector<16xf32> to vector<16xf32>
      tpu.vector_store %arg7[%swap3A_112], %swap3A_115 {strides = array<i32>} : memref<16384xf32, #tpu.memory_space<vmem>>, vector<16xf32>,
      %sub3A_116 = arith.subf %min3A_97, %min3A : vector<16xf32>
      %swap3A_117 = arith.index_cast %add3A_61 : i32 to index
      %swap3A_118 = tpu.vector_load %arg7[%swap3A_117] {strides = array<i32>} : memref<16384xf32, #tpu.memory_space<vmem>>, vector<16xf32>,
      %swap3A_119 = vector.shape_cast %swap3A_118 : vector<16xf32> to vector<16xf32>
      %swap3A_120 = vector.shape_cast %sub3A_116 : vector<16xf32> to vector<16xf32>
      tpu.vector_store %arg7[%swap3A_117], %swap3A_120 {strides = array<i32>} : memref<16384xf32, #tpu.memory_space<vmem>>, vector<16xf32>,
      %sub3A_121 = arith.subf %min3A_100, %min3A_94 : vector<16xf32>
      %swap3A_122 = arith.index_cast %add3A_64 : i32 to index
      %swap3A_123 = tpu.vector_load %arg7[%swap3A_122] {strides = array<i32>} : memref<16384xf32, #tpu.memory_space<vmem>>, vector<16xf32>,
      %swap3A_124 = vector.shape_cast %swap3A_123 : vector<16xf32> to vector<16xf32>
      %swap3A_125 = vector.shape_cast %sub3A_121 : vector<16xf32> to vector<16xf32>
      tpu.vector_store %arg7[%swap3A_122], %swap3A_125 {strides = array<i32>} : memref<16384xf32, #tpu.memory_space<vmem>>, vector<16xf32>,
      %scan3A_126 = arith.constant 0 : i32
      %scan3A_127 = arith.constant 1 : i32
      %scan3A_128 = arith.addi %scan3A_26, %scan3A_127 : i32
      %shift_right_arithmetic3A_129 = arith.constant 3 : i32
      %shift_right_arithmetic3A_130 = arith.shrsi %scan3A_128, %shift_right_arithmetic3A_129 : i32
      %and3A_131 = arith.constant 7 : i32
      %and3A_132 = arith.andi %scan3A_128, %and3A_131 : i32
      %mul3A_133 = arith.constant 16 : i32
      %mul3A_134 = arith.muli %and3A_132, %mul3A_133 : i32
      %mul3A_135 = arith.constant 512 : i32
      %mul3A_136 = arith.muli %shift_right_arithmetic3A_130, %mul3A_135 : i32
      %add3A_137 = arith.addi %mul3A_19, %shift_right_arithmetic3A_130 : i32
      %convert_element_type3A_138 = arith.sitofp %add3A_137 : i32 to f32
      %mul3A_139 = arith.constant 8.000000e+00 : f32
      %mul3A_140 = arith.mulf %convert_element_type3A_138, %mul3A_139 : f32
      %add3A_141 = arith.constant 4.000000e+00 : f32
      %add3A_142 = arith.addf %mul3A_140, %add3A_141 : f32
      %broadcast_in_dim3A_143 = arith.constant 0.000000e+00 : f32
      %broadcast_in_dim3A_144 = vector.broadcast %broadcast_in_dim3A_143 : f32 to vector<16xf32>
      %add3A_145 = vector.broadcast %add3A_142 : f32 to vector<16xf32>
      %add3A_146 = arith.addf %broadcast_in_dim3A_144, %add3A_145 : vector<16xf32>
      %add3A_147 = vector.broadcast %mul3A_134 : i32 to vector<16xi32>
      %add3A_148 = arith.addi %add3A_147, %iota3A : vector<16xi32>
      %convert_element_type3A_149 = arith.sitofp %add3A_148 : vector<16xi32> to vector<16xf32>
      %mul3A_150 = arith.constant 8.000000e+00 : f32
      %mul3A_151 = vector.broadcast %mul3A_150 : f32 to vector<16xf32>
      %mul3A_152 = arith.mulf %convert_element_type3A_149, %mul3A_151 : vector<16xf32>
      %add3A_153 = arith.constant 4.000000e+00 : f32
      %add3A_154 = vector.broadcast %add3A_153 : f32 to vector<16xf32>
      %add3A_155 = arith.addf %mul3A_152, %add3A_154 : vector<16xf32>
      %add3A_156 = arith.constant 0 : i32
      %add3A_157 = arith.addi %mul3A_136, %add3A_156 : i32
      %add3A_158 = arith.addi %add3A_157, %mul3A_134 : i32
      %add3A_159 = arith.constant 128 : i32
      %add3A_160 = arith.addi %mul3A_136, %add3A_159 : i32
      %add3A_161 = arith.addi %add3A_160, %mul3A_134 : i32
      %add3A_162 = arith.constant 256 : i32
      %add3A_163 = arith.addi %mul3A_136, %add3A_162 : i32
      %add3A_164 = arith.addi %add3A_163, %mul3A_134 : i32
      %add3A_165 = arith.constant 384 : i32
      %add3A_166 = arith.addi %mul3A_136, %add3A_165 : i32
      %add3A_167 = arith.addi %add3A_166, %mul3A_134 : i32
      %get3A_168 = arith.index_cast %add3A_158 : i32 to index
      %get3A_169 = tpu.vector_load %arg6[%get3A_168] {strides = array<i32>} : memref<16384xf32, #tpu.memory_space<vmem>>, vector<16xf32>,
      %get3A_170 = vector.shape_cast %get3A_169 : vector<16xf32> to vector<16xf32>
      %exp3A_171 = math.exp %get3A_170 : vector<16xf32>
      %mul3A_172 = arith.constant 8.000000e+00 : f32
      %mul3A_173 = vector.broadcast %mul3A_172 : f32 to vector<16xf32>
      %mul3A_174 = arith.mulf %exp3A_171, %mul3A_173 : vector<16xf32>
      %get3A_175 = arith.index_cast %add3A_161 : i32 to index
      %get3A_176 = tpu.vector_load %arg6[%get3A_175] {strides = array<i32>} : memref<16384xf32, #tpu.memory_space<vmem>>, vector<16xf32>,
      %get3A_177 = vector.shape_cast %get3A_176 : vector<16xf32> to vector<16xf32>
      %exp3A_178 = math.exp %get3A_177 : vector<16xf32>
      %mul3A_179 = arith.constant 8.000000e+00 : f32
      %mul3A_180 = vector.broadcast %mul3A_179 : f32 to vector<16xf32>
      %mul3A_181 = arith.mulf %exp3A_178, %mul3A_180 : vector<16xf32>
      %get3A_182 = arith.index_cast %add3A_164 : i32 to index
      %get3A_183 = tpu.vector_load %arg6[%get3A_182] {strides = array<i32>} : memref<16384xf32, #tpu.memory_space<vmem>>, vector<16xf32>,
      %get3A_184 = vector.shape_cast %get3A_183 : vector<16xf32> to vector<16xf32>
      %exp3A_185 = math.exp %get3A_184 : vector<16xf32>
      %mul3A_186 = arith.constant 8.000000e+00 : f32
      %mul3A_187 = vector.broadcast %mul3A_186 : f32 to vector<16xf32>
      %mul3A_188 = arith.mulf %exp3A_185, %mul3A_187 : vector<16xf32>
      %get3A_189 = arith.index_cast %add3A_167 : i32 to index
      %get3A_190 = tpu.vector_load %arg6[%get3A_189] {strides = array<i32>} : memref<16384xf32, #tpu.memory_space<vmem>>, vector<16xf32>,
      %get3A_191 = vector.shape_cast %get3A_190 : vector<16xf32> to vector<16xf32>
      %exp3A_192 = math.exp %get3A_191 : vector<16xf32>
      %mul3A_193 = arith.constant 8.000000e+00 : f32
      %mul3A_194 = vector.broadcast %mul3A_193 : f32 to vector<16xf32>
      %mul3A_195 = arith.mulf %exp3A_192, %mul3A_194 : vector<16xf32>
      %sub3A_196 = arith.subf %add3A_155, %mul3A_174 : vector<16xf32>
      %max3A_197 = arith.maximumf %sub3A_196, %broadcast_in_dim3A_8 : vector<16xf32>
      %min3A_198 = arith.minimumf %max3A_197, %get3A_4 : vector<16xf32>
      %sub3A_199 = arith.subf %add3A_146, %mul3A_181 : vector<16xf32>
      %max3A_200 = arith.maximumf %sub3A_199, %broadcast_in_dim3A_8 : vector<16xf32>
      %min3A_201 = arith.minimumf %max3A_200, %get3A_7 : vector<16xf32>
      %add3A_202 = arith.addf %add3A_155, %mul3A_188 : vector<16xf32>
      %max3A_203 = arith.maximumf %add3A_202, %broadcast_in_dim3A_8 : vector<16xf32>
      %min3A_204 = arith.minimumf %max3A_203, %get3A_4 : vector<16xf32>
      %add3A_205 = arith.addf %add3A_146, %mul3A_195 : vector<16xf32>
      %max3A_206 = arith.maximumf %add3A_205, %broadcast_in_dim3A_8 : vector<16xf32>
      %min3A_207 = arith.minimumf %max3A_206, %get3A_7 : vector<16xf32>
      %add3A_208 = arith.addf %min3A_198, %min3A_204 : vector<16xf32>
      %mul3A_209 = arith.constant 5.000000e-01 : f32
      %mul3A_210 = vector.broadcast %mul3A_209 : f32 to vector<16xf32>
      %mul3A_211 = arith.mulf %add3A_208, %mul3A_210 : vector<16xf32>
      %swap3A_212 = arith.index_cast %add3A_158 : i32 to index
      %swap3A_213 = tpu.vector_load %arg7[%swap3A_212] {strides = array<i32>} : memref<16384xf32, #tpu.memory_space<vmem>>, vector<16xf32>,
      %swap3A_214 = vector.shape_cast %swap3A_213 : vector<16xf32> to vector<16xf32>
      %swap3A_215 = vector.shape_cast %mul3A_211 : vector<16xf32> to vector<16xf32>
      tpu.vector_store %arg7[%swap3A_212], %swap3A_215 {strides = array<i32>} : memref<16384xf32, #tpu.memory_space<vmem>>, vector<16xf32>,
      %add3A_216 = arith.addf %min3A_201, %min3A_207 : vector<16xf32>
      %mul3A_217 = arith.constant 5.000000e-01 : f32
      %mul3A_218 = vector.broadcast %mul3A_217 : f32 to vector<16xf32>
      %mul3A_219 = arith.mulf %add3A_216, %mul3A_218 : vector<16xf32>
      %swap3A_220 = arith.index_cast %add3A_161 : i32 to index
      %swap3A_221 = tpu.vector_load %arg7[%swap3A_220] {strides = array<i32>} : memref<16384xf32, #tpu.memory_space<vmem>>, vector<16xf32>,
      %swap3A_222 = vector.shape_cast %swap3A_221 : vector<16xf32> to vector<16xf32>
      %swap3A_223 = vector.shape_cast %mul3A_219 : vector<16xf32> to vector<16xf32>
      tpu.vector_store %arg7[%swap3A_220], %swap3A_223 {strides = array<i32>} : memref<16384xf32, #tpu.memory_space<vmem>>, vector<16xf32>,
      %sub3A_224 = arith.subf %min3A_204, %min3A_198 : vector<16xf32>
      %swap3A_225 = arith.index_cast %add3A_164 : i32 to index
      %swap3A_226 = tpu.vector_load %arg7[%swap3A_225] {strides = array<i32>} : memref<16384xf32, #tpu.memory_space<vmem>>, vector<16xf32>,
      %swap3A_227 = vector.shape_cast %swap3A_226 : vector<16xf32> to vector<16xf32>
      %swap3A_228 = vector.shape_cast %sub3A_224 : vector<16xf32> to vector<16xf32>
      tpu.vector_store %arg7[%swap3A_225], %swap3A_228 {strides = array<i32>} : memref<16384xf32, #tpu.memory_space<vmem>>, vector<16xf32>,
      %sub3A_229 = arith.subf %min3A_207, %min3A_201 : vector<16xf32>
      %swap3A_230 = arith.index_cast %add3A_167 : i32 to index
      %swap3A_231 = tpu.vector_load %arg7[%swap3A_230] {strides = array<i32>} : memref<16384xf32, #tpu.memory_space<vmem>>, vector<16xf32>,
      %swap3A_232 = vector.shape_cast %swap3A_231 : vector<16xf32> to vector<16xf32>
      %swap3A_233 = vector.shape_cast %sub3A_229 : vector<16xf32> to vector<16xf32>
      tpu.vector_store %arg7[%swap3A_230], %swap3A_233 {strides = array<i32>} : memref<16384xf32, #tpu.memory_space<vmem>>, vector<16xf32>,
      %scan3A_234 = arith.constant 0 : i32
      %scan3A_235 = arith.constant 2 : i32
      %scan3A_236 = arith.addi %scan3A_26, %scan3A_235 : i32
      %shift_right_arithmetic3A_237 = arith.constant 3 : i32
      %shift_right_arithmetic3A_238 = arith.shrsi %scan3A_236, %shift_right_arithmetic3A_237 : i32
      %and3A_239 = arith.constant 7 : i32
      %and3A_240 = arith.andi %scan3A_236, %and3A_239 : i32
      %mul3A_241 = arith.constant 16 : i32
      %mul3A_242 = arith.muli %and3A_240, %mul3A_241 : i32
      %mul3A_243 = arith.constant 512 : i32
      %mul3A_244 = arith.muli %shift_right_arithmetic3A_238, %mul3A_243 : i32
      %add3A_245 = arith.addi %mul3A_19, %shift_right_arithmetic3A_238 : i32
      %convert_element_type3A_246 = arith.sitofp %add3A_245 : i32 to f32
      %mul3A_247 = arith.constant 8.000000e+00 : f32
      %mul3A_248 = arith.mulf %convert_element_type3A_246, %mul3A_247 : f32
      %add3A_249 = arith.constant 4.000000e+00 : f32
      %add3A_250 = arith.addf %mul3A_248, %add3A_249 : f32
      %broadcast_in_dim3A_251 = arith.constant 0.000000e+00 : f32
      %broadcast_in_dim3A_252 = vector.broadcast %broadcast_in_dim3A_251 : f32 to vector<16xf32>
      %add3A_253 = vector.broadcast %add3A_250 : f32 to vector<16xf32>
      %add3A_254 = arith.addf %broadcast_in_dim3A_252, %add3A_253 : vector<16xf32>
      %add3A_255 = vector.broadcast %mul3A_242 : i32 to vector<16xi32>
      %add3A_256 = arith.addi %add3A_255, %iota3A : vector<16xi32>
      %convert_element_type3A_257 = arith.sitofp %add3A_256 : vector<16xi32> to vector<16xf32>
      %mul3A_258 = arith.constant 8.000000e+00 : f32
      %mul3A_259 = vector.broadcast %mul3A_258 : f32 to vector<16xf32>
      %mul3A_260 = arith.mulf %convert_element_type3A_257, %mul3A_259 : vector<16xf32>
      %add3A_261 = arith.constant 4.000000e+00 : f32
      %add3A_262 = vector.broadcast %add3A_261 : f32 to vector<16xf32>
      %add3A_263 = arith.addf %mul3A_260, %add3A_262 : vector<16xf32>
      %add3A_264 = arith.constant 0 : i32
      %add3A_265 = arith.addi %mul3A_244, %add3A_264 : i32
      %add3A_266 = arith.addi %add3A_265, %mul3A_242 : i32
      %add3A_267 = arith.constant 128 : i32
      %add3A_268 = arith.addi %mul3A_244, %add3A_267 : i32
      %add3A_269 = arith.addi %add3A_268, %mul3A_242 : i32
      %add3A_270 = arith.constant 256 : i32
      %add3A_271 = arith.addi %mul3A_244, %add3A_270 : i32
      %add3A_272 = arith.addi %add3A_271, %mul3A_242 : i32
      %add3A_273 = arith.constant 384 : i32
      %add3A_274 = arith.addi %mul3A_244, %add3A_273 : i32
      %add3A_275 = arith.addi %add3A_274, %mul3A_242 : i32
      %get3A_276 = arith.index_cast %add3A_266 : i32 to index
      %get3A_277 = tpu.vector_load %arg6[%get3A_276] {strides = array<i32>} : memref<16384xf32, #tpu.memory_space<vmem>>, vector<16xf32>,
      %get3A_278 = vector.shape_cast %get3A_277 : vector<16xf32> to vector<16xf32>
      %exp3A_279 = math.exp %get3A_278 : vector<16xf32>
      %mul3A_280 = arith.constant 8.000000e+00 : f32
      %mul3A_281 = vector.broadcast %mul3A_280 : f32 to vector<16xf32>
      %mul3A_282 = arith.mulf %exp3A_279, %mul3A_281 : vector<16xf32>
      %get3A_283 = arith.index_cast %add3A_269 : i32 to index
      %get3A_284 = tpu.vector_load %arg6[%get3A_283] {strides = array<i32>} : memref<16384xf32, #tpu.memory_space<vmem>>, vector<16xf32>,
      %get3A_285 = vector.shape_cast %get3A_284 : vector<16xf32> to vector<16xf32>
      %exp3A_286 = math.exp %get3A_285 : vector<16xf32>
      %mul3A_287 = arith.constant 8.000000e+00 : f32
      %mul3A_288 = vector.broadcast %mul3A_287 : f32 to vector<16xf32>
      %mul3A_289 = arith.mulf %exp3A_286, %mul3A_288 : vector<16xf32>
      %get3A_290 = arith.index_cast %add3A_272 : i32 to index
      %get3A_291 = tpu.vector_load %arg6[%get3A_290] {strides = array<i32>} : memref<16384xf32, #tpu.memory_space<vmem>>, vector<16xf32>,
      %get3A_292 = vector.shape_cast %get3A_291 : vector<16xf32> to vector<16xf32>
      %exp3A_293 = math.exp %get3A_292 : vector<16xf32>
      %mul3A_294 = arith.constant 8.000000e+00 : f32
      %mul3A_295 = vector.broadcast %mul3A_294 : f32 to vector<16xf32>
      %mul3A_296 = arith.mulf %exp3A_293, %mul3A_295 : vector<16xf32>
      %get3A_297 = arith.index_cast %add3A_275 : i32 to index
      %get3A_298 = tpu.vector_load %arg6[%get3A_297] {strides = array<i32>} : memref<16384xf32, #tpu.memory_space<vmem>>, vector<16xf32>,
      %get3A_299 = vector.shape_cast %get3A_298 : vector<16xf32> to vector<16xf32>
      %exp3A_300 = math.exp %get3A_299 : vector<16xf32>
      %mul3A_301 = arith.constant 8.000000e+00 : f32
      %mul3A_302 = vector.broadcast %mul3A_301 : f32 to vector<16xf32>
      %mul3A_303 = arith.mulf %exp3A_300, %mul3A_302 : vector<16xf32>
      %sub3A_304 = arith.subf %add3A_263, %mul3A_282 : vector<16xf32>
      %max3A_305 = arith.maximumf %sub3A_304, %broadcast_in_dim3A_8 : vector<16xf32>
      %min3A_306 = arith.minimumf %max3A_305, %get3A_4 : vector<16xf32>
      %sub3A_307 = arith.subf %add3A_254, %mul3A_289 : vector<16xf32>
      %max3A_308 = arith.maximumf %sub3A_307, %broadcast_in_dim3A_8 : vector<16xf32>
      %min3A_309 = arith.minimumf %max3A_308, %get3A_7 : vector<16xf32>
      %add3A_310 = arith.addf %add3A_263, %mul3A_296 : vector<16xf32>
      %max3A_311 = arith.maximumf %add3A_310, %broadcast_in_dim3A_8 : vector<16xf32>
      %min3A_312 = arith.minimumf %max3A_311, %get3A_4 : vector<16xf32>
      %add3A_313 = arith.addf %add3A_254, %mul3A_303 : vector<16xf32>
      %max3A_314 = arith.maximumf %add3A_313, %broadcast_in_dim3A_8 : vector<16xf32>
      %min3A_315 = arith.minimumf %max3A_314, %get3A_7 : vector<16xf32>
      %add3A_316 = arith.addf %min3A_306, %min3A_312 : vector<16xf32>
      %mul3A_317 = arith.constant 5.000000e-01 : f32
      %mul3A_318 = vector.broadcast %mul3A_317 : f32 to vector<16xf32>
      %mul3A_319 = arith.mulf %add3A_316, %mul3A_318 : vector<16xf32>
      %swap3A_320 = arith.index_cast %add3A_266 : i32 to index
      %swap3A_321 = tpu.vector_load %arg7[%swap3A_320] {strides = array<i32>} : memref<16384xf32, #tpu.memory_space<vmem>>, vector<16xf32>,
      %swap3A_322 = vector.shape_cast %swap3A_321 : vector<16xf32> to vector<16xf32>
      %swap3A_323 = vector.shape_cast %mul3A_319 : vector<16xf32> to vector<16xf32>
      tpu.vector_store %arg7[%swap3A_320], %swap3A_323 {strides = array<i32>} : memref<16384xf32, #tpu.memory_space<vmem>>, vector<16xf32>,
      %add3A_324 = arith.addf %min3A_309, %min3A_315 : vector<16xf32>
      %mul3A_325 = arith.constant 5.000000e-01 : f32
      %mul3A_326 = vector.broadcast %mul3A_325 : f32 to vector<16xf32>
      %mul3A_327 = arith.mulf %add3A_324, %mul3A_326 : vector<16xf32>
      %swap3A_328 = arith.index_cast %add3A_269 : i32 to index
      %swap3A_329 = tpu.vector_load %arg7[%swap3A_328] {strides = array<i32>} : memref<16384xf32, #tpu.memory_space<vmem>>, vector<16xf32>,
      %swap3A_330 = vector.shape_cast %swap3A_329 : vector<16xf32> to vector<16xf32>
      %swap3A_331 = vector.shape_cast %mul3A_327 : vector<16xf32> to vector<16xf32>
      tpu.vector_store %arg7[%swap3A_328], %swap3A_331 {strides = array<i32>} : memref<16384xf32, #tpu.memory_space<vmem>>, vector<16xf32>,
      %sub3A_332 = arith.subf %min3A_312, %min3A_306 : vector<16xf32>
      %swap3A_333 = arith.index_cast %add3A_272 : i32 to index
      %swap3A_334 = tpu.vector_load %arg7[%swap3A_333] {strides = array<i32>} : memref<16384xf32, #tpu.memory_space<vmem>>, vector<16xf32>,
      %swap3A_335 = vector.shape_cast %swap3A_334 : vector<16xf32> to vector<16xf32>
      %swap3A_336 = vector.shape_cast %sub3A_332 : vector<16xf32> to vector<16xf32>
      tpu.vector_store %arg7[%swap3A_333], %swap3A_336 {strides = array<i32>} : memref<16384xf32, #tpu.memory_space<vmem>>, vector<16xf32>,
      %sub3A_337 = arith.subf %min3A_315, %min3A_309 : vector<16xf32>
      %swap3A_338 = arith.index_cast %add3A_275 : i32 to index
      %swap3A_339 = tpu.vector_load %arg7[%swap3A_338] {strides = array<i32>} : memref<16384xf32, #tpu.memory_space<vmem>>, vector<16xf32>,
      %swap3A_340 = vector.shape_cast %swap3A_339 : vector<16xf32> to vector<16xf32>
      %swap3A_341 = vector.shape_cast %sub3A_337 : vector<16xf32> to vector<16xf32>
      tpu.vector_store %arg7[%swap3A_338], %swap3A_341 {strides = array<i32>} : memref<16384xf32, #tpu.memory_space<vmem>>, vector<16xf32>,
      %scan3A_342 = arith.constant 0 : i32
      %scan3A_343 = arith.constant 3 : i32
      %scan3A_344 = arith.addi %scan3A_26, %scan3A_343 : i32
      %shift_right_arithmetic3A_345 = arith.constant 3 : i32
      %shift_right_arithmetic3A_346 = arith.shrsi %scan3A_344, %shift_right_arithmetic3A_345 : i32
      %and3A_347 = arith.constant 7 : i32
      %and3A_348 = arith.andi %scan3A_344, %and3A_347 : i32
      %mul3A_349 = arith.constant 16 : i32
      %mul3A_350 = arith.muli %and3A_348, %mul3A_349 : i32
      %mul3A_351 = arith.constant 512 : i32
      %mul3A_352 = arith.muli %shift_right_arithmetic3A_346, %mul3A_351 : i32
      %add3A_353 = arith.addi %mul3A_19, %shift_right_arithmetic3A_346 : i32
      %convert_element_type3A_354 = arith.sitofp %add3A_353 : i32 to f32
      %mul3A_355 = arith.constant 8.000000e+00 : f32
      %mul3A_356 = arith.mulf %convert_element_type3A_354, %mul3A_355 : f32
      %add3A_357 = arith.constant 4.000000e+00 : f32
      %add3A_358 = arith.addf %mul3A_356, %add3A_357 : f32
      %broadcast_in_dim3A_359 = arith.constant 0.000000e+00 : f32
      %broadcast_in_dim3A_360 = vector.broadcast %broadcast_in_dim3A_359 : f32 to vector<16xf32>
      %add3A_361 = vector.broadcast %add3A_358 : f32 to vector<16xf32>
      %add3A_362 = arith.addf %broadcast_in_dim3A_360, %add3A_361 : vector<16xf32>
      %add3A_363 = vector.broadcast %mul3A_350 : i32 to vector<16xi32>
      %add3A_364 = arith.addi %add3A_363, %iota3A : vector<16xi32>
      %convert_element_type3A_365 = arith.sitofp %add3A_364 : vector<16xi32> to vector<16xf32>
      %mul3A_366 = arith.constant 8.000000e+00 : f32
      %mul3A_367 = vector.broadcast %mul3A_366 : f32 to vector<16xf32>
      %mul3A_368 = arith.mulf %convert_element_type3A_365, %mul3A_367 : vector<16xf32>
      %add3A_369 = arith.constant 4.000000e+00 : f32
      %add3A_370 = vector.broadcast %add3A_369 : f32 to vector<16xf32>
      %add3A_371 = arith.addf %mul3A_368, %add3A_370 : vector<16xf32>
      %add3A_372 = arith.constant 0 : i32
      %add3A_373 = arith.addi %mul3A_352, %add3A_372 : i32
      %add3A_374 = arith.addi %add3A_373, %mul3A_350 : i32
      %add3A_375 = arith.constant 128 : i32
      %add3A_376 = arith.addi %mul3A_352, %add3A_375 : i32
      %add3A_377 = arith.addi %add3A_376, %mul3A_350 : i32
      %add3A_378 = arith.constant 256 : i32
      %add3A_379 = arith.addi %mul3A_352, %add3A_378 : i32
      %add3A_380 = arith.addi %add3A_379, %mul3A_350 : i32
      %add3A_381 = arith.constant 384 : i32
      %add3A_382 = arith.addi %mul3A_352, %add3A_381 : i32
      %add3A_383 = arith.addi %add3A_382, %mul3A_350 : i32
      %get3A_384 = arith.index_cast %add3A_374 : i32 to index
      %get3A_385 = tpu.vector_load %arg6[%get3A_384] {strides = array<i32>} : memref<16384xf32, #tpu.memory_space<vmem>>, vector<16xf32>,
      %get3A_386 = vector.shape_cast %get3A_385 : vector<16xf32> to vector<16xf32>
      %exp3A_387 = math.exp %get3A_386 : vector<16xf32>
      %mul3A_388 = arith.constant 8.000000e+00 : f32
      %mul3A_389 = vector.broadcast %mul3A_388 : f32 to vector<16xf32>
      %mul3A_390 = arith.mulf %exp3A_387, %mul3A_389 : vector<16xf32>
      %get3A_391 = arith.index_cast %add3A_377 : i32 to index
      %get3A_392 = tpu.vector_load %arg6[%get3A_391] {strides = array<i32>} : memref<16384xf32, #tpu.memory_space<vmem>>, vector<16xf32>,
      %get3A_393 = vector.shape_cast %get3A_392 : vector<16xf32> to vector<16xf32>
      %exp3A_394 = math.exp %get3A_393 : vector<16xf32>
      %mul3A_395 = arith.constant 8.000000e+00 : f32
      %mul3A_396 = vector.broadcast %mul3A_395 : f32 to vector<16xf32>
      %mul3A_397 = arith.mulf %exp3A_394, %mul3A_396 : vector<16xf32>
      %get3A_398 = arith.index_cast %add3A_380 : i32 to index
      %get3A_399 = tpu.vector_load %arg6[%get3A_398] {strides = array<i32>} : memref<16384xf32, #tpu.memory_space<vmem>>, vector<16xf32>,
      %get3A_400 = vector.shape_cast %get3A_399 : vector<16xf32> to vector<16xf32>
      %exp3A_401 = math.exp %get3A_400 : vector<16xf32>
      %mul3A_402 = arith.constant 8.000000e+00 : f32
      %mul3A_403 = vector.broadcast %mul3A_402 : f32 to vector<16xf32>
      %mul3A_404 = arith.mulf %exp3A_401, %mul3A_403 : vector<16xf32>
      %get3A_405 = arith.index_cast %add3A_383 : i32 to index
      %get3A_406 = tpu.vector_load %arg6[%get3A_405] {strides = array<i32>} : memref<16384xf32, #tpu.memory_space<vmem>>, vector<16xf32>,
      %get3A_407 = vector.shape_cast %get3A_406 : vector<16xf32> to vector<16xf32>
      %exp3A_408 = math.exp %get3A_407 : vector<16xf32>
      %mul3A_409 = arith.constant 8.000000e+00 : f32
      %mul3A_410 = vector.broadcast %mul3A_409 : f32 to vector<16xf32>
      %mul3A_411 = arith.mulf %exp3A_408, %mul3A_410 : vector<16xf32>
      %sub3A_412 = arith.subf %add3A_371, %mul3A_390 : vector<16xf32>
      %max3A_413 = arith.maximumf %sub3A_412, %broadcast_in_dim3A_8 : vector<16xf32>
      %min3A_414 = arith.minimumf %max3A_413, %get3A_4 : vector<16xf32>
      %sub3A_415 = arith.subf %add3A_362, %mul3A_397 : vector<16xf32>
      %max3A_416 = arith.maximumf %sub3A_415, %broadcast_in_dim3A_8 : vector<16xf32>
      %min3A_417 = arith.minimumf %max3A_416, %get3A_7 : vector<16xf32>
      %add3A_418 = arith.addf %add3A_371, %mul3A_404 : vector<16xf32>
      %max3A_419 = arith.maximumf %add3A_418, %broadcast_in_dim3A_8 : vector<16xf32>
      %min3A_420 = arith.minimumf %max3A_419, %get3A_4 : vector<16xf32>
      %add3A_421 = arith.addf %add3A_362, %mul3A_411 : vector<16xf32>
      %max3A_422 = arith.maximumf %add3A_421, %broadcast_in_dim3A_8 : vector<16xf32>
      %min3A_423 = arith.minimumf %max3A_422, %get3A_7 : vector<16xf32>
      %add3A_424 = arith.addf %min3A_414, %min3A_420 : vector<16xf32>
      %mul3A_425 = arith.constant 5.000000e-01 : f32
      %mul3A_426 = vector.broadcast %mul3A_425 : f32 to vector<16xf32>
      %mul3A_427 = arith.mulf %add3A_424, %mul3A_426 : vector<16xf32>
      %swap3A_428 = arith.index_cast %add3A_374 : i32 to index
      %swap3A_429 = tpu.vector_load %arg7[%swap3A_428] {strides = array<i32>} : memref<16384xf32, #tpu.memory_space<vmem>>, vector<16xf32>,
      %swap3A_430 = vector.shape_cast %swap3A_429 : vector<16xf32> to vector<16xf32>
      %swap3A_431 = vector.shape_cast %mul3A_427 : vector<16xf32> to vector<16xf32>
      tpu.vector_store %arg7[%swap3A_428], %swap3A_431 {strides = array<i32>} : memref<16384xf32, #tpu.memory_space<vmem>>, vector<16xf32>,
      %add3A_432 = arith.addf %min3A_417, %min3A_423 : vector<16xf32>
      %mul3A_433 = arith.constant 5.000000e-01 : f32
      %mul3A_434 = vector.broadcast %mul3A_433 : f32 to vector<16xf32>
      %mul3A_435 = arith.mulf %add3A_432, %mul3A_434 : vector<16xf32>
      %swap3A_436 = arith.index_cast %add3A_377 : i32 to index
      %swap3A_437 = tpu.vector_load %arg7[%swap3A_436] {strides = array<i32>} : memref<16384xf32, #tpu.memory_space<vmem>>, vector<16xf32>,
      %swap3A_438 = vector.shape_cast %swap3A_437 : vector<16xf32> to vector<16xf32>
      %swap3A_439 = vector.shape_cast %mul3A_435 : vector<16xf32> to vector<16xf32>
      tpu.vector_store %arg7[%swap3A_436], %swap3A_439 {strides = array<i32>} : memref<16384xf32, #tpu.memory_space<vmem>>, vector<16xf32>,
      %sub3A_440 = arith.subf %min3A_420, %min3A_414 : vector<16xf32>
      %swap3A_441 = arith.index_cast %add3A_380 : i32 to index
      %swap3A_442 = tpu.vector_load %arg7[%swap3A_441] {strides = array<i32>} : memref<16384xf32, #tpu.memory_space<vmem>>, vector<16xf32>,
      %swap3A_443 = vector.shape_cast %swap3A_442 : vector<16xf32> to vector<16xf32>
      %swap3A_444 = vector.shape_cast %sub3A_440 : vector<16xf32> to vector<16xf32>
      tpu.vector_store %arg7[%swap3A_441], %swap3A_444 {strides = array<i32>} : memref<16384xf32, #tpu.memory_space<vmem>>, vector<16xf32>,
      %sub3A_445 = arith.subf %min3A_423, %min3A_417 : vector<16xf32>
      %swap3A_446 = arith.index_cast %add3A_383 : i32 to index
      %swap3A_447 = tpu.vector_load %arg7[%swap3A_446] {strides = array<i32>} : memref<16384xf32, #tpu.memory_space<vmem>>, vector<16xf32>,
      %swap3A_448 = vector.shape_cast %swap3A_447 : vector<16xf32> to vector<16xf32>
      %swap3A_449 = vector.shape_cast %sub3A_445 : vector<16xf32> to vector<16xf32>
      tpu.vector_store %arg7[%swap3A_446], %swap3A_449 {strides = array<i32>} : memref<16384xf32, #tpu.memory_space<vmem>>, vector<16xf32>,
      %scan3A_450 = arith.constant 0 : i32
      scf.yield %scan3A_450 : i32
    }
    %scan3A_25 = arith.constant 256 : i32
    "tpu.region"() ({
      %run_scoped3A = tpu.sem_alloc : memref<!tpu.dma_semaphore, #tpu.memory_space<semaphore_mem>>
      %dma_start3A = tpu.memref_slice %arg5[%mul3A_2] : memref<524288xf32, #tpu.memory_space<hbm>> -> memref<16384xf32, #tpu.memory_space<hbm>>
      %dma_start3A_26 = tpu.memref_slice %arg5[%mul3A_2] : memref<524288xf32, #tpu.memory_space<hbm>> -> memref<16384xf32, #tpu.memory_space<hbm>>
      tpu.enqueue_dma source(%arg7 : memref<16384xf32, #tpu.memory_space<vmem>>) target(%dma_start3A_26 : memref<16384xf32, #tpu.memory_space<hbm>>) target_semaphore(%run_scoped3A : memref<!tpu.dma_semaphore, #tpu.memory_space<semaphore_mem>>)
      %dma_wait3A = tpu.memref_slice %arg5[%mul3A_2] : memref<524288xf32, #tpu.memory_space<hbm>> -> memref<16384xf32, #tpu.memory_space<hbm>>
      %dma_wait3A_27 = tpu.memref_slice %arg5[%mul3A_2] : memref<524288xf32, #tpu.memory_space<hbm>> -> memref<16384xf32, #tpu.memory_space<hbm>>
      tpu.wait_dma2 semaphore(%run_scoped3A : memref<!tpu.dma_semaphore, #tpu.memory_space<semaphore_mem>>) src(%arg7 : memref<16384xf32, #tpu.memory_space<vmem>>) dst(%dma_wait3A_27 : memref<16384xf32, #tpu.memory_space<hbm>>)
      tpu.yield
    }) : () -> ()
    return
  }
}

module attributes {stable_mosaic.version = 14 : i64} {
  func.func @_tc_body(%arg0: i32, %arg1: i32, %arg2: memref<2xi32, #tpu.memory_space<smem>>, %arg3: memref<1x128x128xf32, #tpu.memory_space<vmem>>, %arg4: memref<1x128x80x128xf32, #tpu.memory_space<vmem>>, %arg5: memref<8x16384xi32, #tpu.memory_space<vmem>>, %arg6: memref<8x16384xf32, #tpu.memory_space<vmem>>) attributes {dimension_semantics = [#tpu.dimension_semantics<parallel>, #tpu.dimension_semantics<arbitrary>], iteration_bounds = array<i64: 1, 8>, scalar_prefetch = 0 : i64, scratch_operands = 0 : i64, tpu.core_type = #tpu.core_type<tc>, window_params = [{transform_indices = @transform_0, window_bounds = array<i64: 2>}, {transform_indices = @transform_1, window_bounds = array<i64: 1, 128, 128>}, {transform_indices = @transform_2, window_bounds = array<i64: 1, 128, 80, 128>}, {transform_indices = @transform_3, window_bounds = array<i64: 8, 16384>}, {transform_indices = @transform_4, window_bounds = array<i64: 8, 16384>}]} {
    %get3A = arith.constant 0 : index
    %get3A_0 = arith.constant 0 : index
    %get3A_1 = arith.constant 0 : index
    %get3A_2 = arith.constant 0 : index
    %get3A_3 = vector.load %arg4[%get3A, %get3A_0, %get3A_1, %get3A_2] : memref<1x128x80x128xf32, #tpu.memory_space<vmem>>, vector<1x128x80x128xf32>
    %get3A_4 = vector.shape_cast %get3A_3 : vector<1x128x80x128xf32> to vector<128x80x128xf32>
    %reduce_max3A = arith.constant dense<0xFF800000> : vector<128x128xf32>
    %reduce_max3A_5 = vector.multi_reduction <maximumf>, %get3A_4, %reduce_max3A [1] : vector<128x80x128xf32> to vector<128x128xf32>
    %iota3A = tpu.iota {dimensions = array<i32: 1>} : vector<128x80x128xi32>
    %broadcast_in_dim3A = vector.shape_cast %reduce_max3A_5 : vector<128x128xf32> to vector<128x1x128xf32>
    %eq3A = vector.broadcast %broadcast_in_dim3A : vector<128x1x128xf32> to vector<128x80x128xf32>
    %eq3A_6 = arith.cmpf oeq, %get3A_4, %eq3A : vector<128x80x128xf32>
    %jit3A = arith.constant 80 : i32
    %broadcast_in_dim3A_7 = vector.broadcast %jit3A : i32 to vector<128x80x128xi32>
    %select_n3A = arith.select %eq3A_6, %iota3A, %broadcast_in_dim3A_7 : vector<128x80x128xi1>, vector<128x80x128xi32>
    %reduce_min3A = arith.constant dense<2147483647> : vector<128x128xi32>
    %reduce_min3A_8 = vector.multi_reduction <minsi>, %select_n3A, %reduce_min3A [1] : vector<128x80x128xi32> to vector<128x128xi32>
    %slice3A = vector.extract_strided_slice %reduce_min3A_8 {offsets = [0, 0], sizes = [1, 128], strides = [1, 1]} : vector<128x128xi32> to vector<1x128xi32>
    %slice3A_9 = vector.extract_strided_slice %reduce_min3A_8 {offsets = [1, 0], sizes = [1, 128], strides = [1, 1]} : vector<128x128xi32> to vector<1x128xi32>
    %slice3A_10 = vector.extract_strided_slice %reduce_min3A_8 {offsets = [2, 0], sizes = [1, 128], strides = [1, 1]} : vector<128x128xi32> to vector<1x128xi32>
    %slice3A_11 = vector.extract_strided_slice %reduce_min3A_8 {offsets = [3, 0], sizes = [1, 128], strides = [1, 1]} : vector<128x128xi32> to vector<1x128xi32>
    %slice3A_12 = vector.extract_strided_slice %reduce_min3A_8 {offsets = [4, 0], sizes = [1, 128], strides = [1, 1]} : vector<128x128xi32> to vector<1x128xi32>
    %slice3A_13 = vector.extract_strided_slice %reduce_min3A_8 {offsets = [5, 0], sizes = [1, 128], strides = [1, 1]} : vector<128x128xi32> to vector<1x128xi32>
    %slice3A_14 = vector.extract_strided_slice %reduce_min3A_8 {offsets = [6, 0], sizes = [1, 128], strides = [1, 1]} : vector<128x128xi32> to vector<1x128xi32>
    %slice3A_15 = vector.extract_strided_slice %reduce_min3A_8 {offsets = [7, 0], sizes = [1, 128], strides = [1, 1]} : vector<128x128xi32> to vector<1x128xi32>
    %slice3A_16 = vector.extract_strided_slice %reduce_min3A_8 {offsets = [8, 0], sizes = [1, 128], strides = [1, 1]} : vector<128x128xi32> to vector<1x128xi32>
    %slice3A_17 = vector.extract_strided_slice %reduce_min3A_8 {offsets = [9, 0], sizes = [1, 128], strides = [1, 1]} : vector<128x128xi32> to vector<1x128xi32>
    %slice3A_18 = vector.extract_strided_slice %reduce_min3A_8 {offsets = [10, 0], sizes = [1, 128], strides = [1, 1]} : vector<128x128xi32> to vector<1x128xi32>
    %slice3A_19 = vector.extract_strided_slice %reduce_min3A_8 {offsets = [11, 0], sizes = [1, 128], strides = [1, 1]} : vector<128x128xi32> to vector<1x128xi32>
    %slice3A_20 = vector.extract_strided_slice %reduce_min3A_8 {offsets = [12, 0], sizes = [1, 128], strides = [1, 1]} : vector<128x128xi32> to vector<1x128xi32>
    %slice3A_21 = vector.extract_strided_slice %reduce_min3A_8 {offsets = [13, 0], sizes = [1, 128], strides = [1, 1]} : vector<128x128xi32> to vector<1x128xi32>
    %slice3A_22 = vector.extract_strided_slice %reduce_min3A_8 {offsets = [14, 0], sizes = [1, 128], strides = [1, 1]} : vector<128x128xi32> to vector<1x128xi32>
    %slice3A_23 = vector.extract_strided_slice %reduce_min3A_8 {offsets = [15, 0], sizes = [1, 128], strides = [1, 1]} : vector<128x128xi32> to vector<1x128xi32>
    %slice3A_24 = vector.extract_strided_slice %reduce_min3A_8 {offsets = [16, 0], sizes = [1, 128], strides = [1, 1]} : vector<128x128xi32> to vector<1x128xi32>
    %slice3A_25 = vector.extract_strided_slice %reduce_min3A_8 {offsets = [17, 0], sizes = [1, 128], strides = [1, 1]} : vector<128x128xi32> to vector<1x128xi32>
    %slice3A_26 = vector.extract_strided_slice %reduce_min3A_8 {offsets = [18, 0], sizes = [1, 128], strides = [1, 1]} : vector<128x128xi32> to vector<1x128xi32>
    %slice3A_27 = vector.extract_strided_slice %reduce_min3A_8 {offsets = [19, 0], sizes = [1, 128], strides = [1, 1]} : vector<128x128xi32> to vector<1x128xi32>
    %slice3A_28 = vector.extract_strided_slice %reduce_min3A_8 {offsets = [20, 0], sizes = [1, 128], strides = [1, 1]} : vector<128x128xi32> to vector<1x128xi32>
    %slice3A_29 = vector.extract_strided_slice %reduce_min3A_8 {offsets = [21, 0], sizes = [1, 128], strides = [1, 1]} : vector<128x128xi32> to vector<1x128xi32>
    %slice3A_30 = vector.extract_strided_slice %reduce_min3A_8 {offsets = [22, 0], sizes = [1, 128], strides = [1, 1]} : vector<128x128xi32> to vector<1x128xi32>
    %slice3A_31 = vector.extract_strided_slice %reduce_min3A_8 {offsets = [23, 0], sizes = [1, 128], strides = [1, 1]} : vector<128x128xi32> to vector<1x128xi32>
    %slice3A_32 = vector.extract_strided_slice %reduce_min3A_8 {offsets = [24, 0], sizes = [1, 128], strides = [1, 1]} : vector<128x128xi32> to vector<1x128xi32>
    %slice3A_33 = vector.extract_strided_slice %reduce_min3A_8 {offsets = [25, 0], sizes = [1, 128], strides = [1, 1]} : vector<128x128xi32> to vector<1x128xi32>
    %slice3A_34 = vector.extract_strided_slice %reduce_min3A_8 {offsets = [26, 0], sizes = [1, 128], strides = [1, 1]} : vector<128x128xi32> to vector<1x128xi32>
    %slice3A_35 = vector.extract_strided_slice %reduce_min3A_8 {offsets = [27, 0], sizes = [1, 128], strides = [1, 1]} : vector<128x128xi32> to vector<1x128xi32>
    %slice3A_36 = vector.extract_strided_slice %reduce_min3A_8 {offsets = [28, 0], sizes = [1, 128], strides = [1, 1]} : vector<128x128xi32> to vector<1x128xi32>
    %slice3A_37 = vector.extract_strided_slice %reduce_min3A_8 {offsets = [29, 0], sizes = [1, 128], strides = [1, 1]} : vector<128x128xi32> to vector<1x128xi32>
    %slice3A_38 = vector.extract_strided_slice %reduce_min3A_8 {offsets = [30, 0], sizes = [1, 128], strides = [1, 1]} : vector<128x128xi32> to vector<1x128xi32>
    %slice3A_39 = vector.extract_strided_slice %reduce_min3A_8 {offsets = [31, 0], sizes = [1, 128], strides = [1, 1]} : vector<128x128xi32> to vector<1x128xi32>
    %slice3A_40 = vector.extract_strided_slice %reduce_min3A_8 {offsets = [32, 0], sizes = [1, 128], strides = [1, 1]} : vector<128x128xi32> to vector<1x128xi32>
    %slice3A_41 = vector.extract_strided_slice %reduce_min3A_8 {offsets = [33, 0], sizes = [1, 128], strides = [1, 1]} : vector<128x128xi32> to vector<1x128xi32>
    %slice3A_42 = vector.extract_strided_slice %reduce_min3A_8 {offsets = [34, 0], sizes = [1, 128], strides = [1, 1]} : vector<128x128xi32> to vector<1x128xi32>
    %slice3A_43 = vector.extract_strided_slice %reduce_min3A_8 {offsets = [35, 0], sizes = [1, 128], strides = [1, 1]} : vector<128x128xi32> to vector<1x128xi32>
    %slice3A_44 = vector.extract_strided_slice %reduce_min3A_8 {offsets = [36, 0], sizes = [1, 128], strides = [1, 1]} : vector<128x128xi32> to vector<1x128xi32>
    %slice3A_45 = vector.extract_strided_slice %reduce_min3A_8 {offsets = [37, 0], sizes = [1, 128], strides = [1, 1]} : vector<128x128xi32> to vector<1x128xi32>
    %slice3A_46 = vector.extract_strided_slice %reduce_min3A_8 {offsets = [38, 0], sizes = [1, 128], strides = [1, 1]} : vector<128x128xi32> to vector<1x128xi32>
    %slice3A_47 = vector.extract_strided_slice %reduce_min3A_8 {offsets = [39, 0], sizes = [1, 128], strides = [1, 1]} : vector<128x128xi32> to vector<1x128xi32>
    %slice3A_48 = vector.extract_strided_slice %reduce_min3A_8 {offsets = [40, 0], sizes = [1, 128], strides = [1, 1]} : vector<128x128xi32> to vector<1x128xi32>
    %slice3A_49 = vector.extract_strided_slice %reduce_min3A_8 {offsets = [41, 0], sizes = [1, 128], strides = [1, 1]} : vector<128x128xi32> to vector<1x128xi32>
    %slice3A_50 = vector.extract_strided_slice %reduce_min3A_8 {offsets = [42, 0], sizes = [1, 128], strides = [1, 1]} : vector<128x128xi32> to vector<1x128xi32>
    %slice3A_51 = vector.extract_strided_slice %reduce_min3A_8 {offsets = [43, 0], sizes = [1, 128], strides = [1, 1]} : vector<128x128xi32> to vector<1x128xi32>
    %slice3A_52 = vector.extract_strided_slice %reduce_min3A_8 {offsets = [44, 0], sizes = [1, 128], strides = [1, 1]} : vector<128x128xi32> to vector<1x128xi32>
    %slice3A_53 = vector.extract_strided_slice %reduce_min3A_8 {offsets = [45, 0], sizes = [1, 128], strides = [1, 1]} : vector<128x128xi32> to vector<1x128xi32>
    %slice3A_54 = vector.extract_strided_slice %reduce_min3A_8 {offsets = [46, 0], sizes = [1, 128], strides = [1, 1]} : vector<128x128xi32> to vector<1x128xi32>
    %slice3A_55 = vector.extract_strided_slice %reduce_min3A_8 {offsets = [47, 0], sizes = [1, 128], strides = [1, 1]} : vector<128x128xi32> to vector<1x128xi32>
    %slice3A_56 = vector.extract_strided_slice %reduce_min3A_8 {offsets = [48, 0], sizes = [1, 128], strides = [1, 1]} : vector<128x128xi32> to vector<1x128xi32>
    %slice3A_57 = vector.extract_strided_slice %reduce_min3A_8 {offsets = [49, 0], sizes = [1, 128], strides = [1, 1]} : vector<128x128xi32> to vector<1x128xi32>
    %slice3A_58 = vector.extract_strided_slice %reduce_min3A_8 {offsets = [50, 0], sizes = [1, 128], strides = [1, 1]} : vector<128x128xi32> to vector<1x128xi32>
    %slice3A_59 = vector.extract_strided_slice %reduce_min3A_8 {offsets = [51, 0], sizes = [1, 128], strides = [1, 1]} : vector<128x128xi32> to vector<1x128xi32>
    %slice3A_60 = vector.extract_strided_slice %reduce_min3A_8 {offsets = [52, 0], sizes = [1, 128], strides = [1, 1]} : vector<128x128xi32> to vector<1x128xi32>
    %slice3A_61 = vector.extract_strided_slice %reduce_min3A_8 {offsets = [53, 0], sizes = [1, 128], strides = [1, 1]} : vector<128x128xi32> to vector<1x128xi32>
    %slice3A_62 = vector.extract_strided_slice %reduce_min3A_8 {offsets = [54, 0], sizes = [1, 128], strides = [1, 1]} : vector<128x128xi32> to vector<1x128xi32>
    %slice3A_63 = vector.extract_strided_slice %reduce_min3A_8 {offsets = [55, 0], sizes = [1, 128], strides = [1, 1]} : vector<128x128xi32> to vector<1x128xi32>
    %slice3A_64 = vector.extract_strided_slice %reduce_min3A_8 {offsets = [56, 0], sizes = [1, 128], strides = [1, 1]} : vector<128x128xi32> to vector<1x128xi32>
    %slice3A_65 = vector.extract_strided_slice %reduce_min3A_8 {offsets = [57, 0], sizes = [1, 128], strides = [1, 1]} : vector<128x128xi32> to vector<1x128xi32>
    %slice3A_66 = vector.extract_strided_slice %reduce_min3A_8 {offsets = [58, 0], sizes = [1, 128], strides = [1, 1]} : vector<128x128xi32> to vector<1x128xi32>
    %slice3A_67 = vector.extract_strided_slice %reduce_min3A_8 {offsets = [59, 0], sizes = [1, 128], strides = [1, 1]} : vector<128x128xi32> to vector<1x128xi32>
    %slice3A_68 = vector.extract_strided_slice %reduce_min3A_8 {offsets = [60, 0], sizes = [1, 128], strides = [1, 1]} : vector<128x128xi32> to vector<1x128xi32>
    %slice3A_69 = vector.extract_strided_slice %reduce_min3A_8 {offsets = [61, 0], sizes = [1, 128], strides = [1, 1]} : vector<128x128xi32> to vector<1x128xi32>
    %slice3A_70 = vector.extract_strided_slice %reduce_min3A_8 {offsets = [62, 0], sizes = [1, 128], strides = [1, 1]} : vector<128x128xi32> to vector<1x128xi32>
    %slice3A_71 = vector.extract_strided_slice %reduce_min3A_8 {offsets = [63, 0], sizes = [1, 128], strides = [1, 1]} : vector<128x128xi32> to vector<1x128xi32>
    %slice3A_72 = vector.extract_strided_slice %reduce_min3A_8 {offsets = [64, 0], sizes = [1, 128], strides = [1, 1]} : vector<128x128xi32> to vector<1x128xi32>
    %slice3A_73 = vector.extract_strided_slice %reduce_min3A_8 {offsets = [65, 0], sizes = [1, 128], strides = [1, 1]} : vector<128x128xi32> to vector<1x128xi32>
    %slice3A_74 = vector.extract_strided_slice %reduce_min3A_8 {offsets = [66, 0], sizes = [1, 128], strides = [1, 1]} : vector<128x128xi32> to vector<1x128xi32>
    %slice3A_75 = vector.extract_strided_slice %reduce_min3A_8 {offsets = [67, 0], sizes = [1, 128], strides = [1, 1]} : vector<128x128xi32> to vector<1x128xi32>
    %slice3A_76 = vector.extract_strided_slice %reduce_min3A_8 {offsets = [68, 0], sizes = [1, 128], strides = [1, 1]} : vector<128x128xi32> to vector<1x128xi32>
    %slice3A_77 = vector.extract_strided_slice %reduce_min3A_8 {offsets = [69, 0], sizes = [1, 128], strides = [1, 1]} : vector<128x128xi32> to vector<1x128xi32>
    %slice3A_78 = vector.extract_strided_slice %reduce_min3A_8 {offsets = [70, 0], sizes = [1, 128], strides = [1, 1]} : vector<128x128xi32> to vector<1x128xi32>
    %slice3A_79 = vector.extract_strided_slice %reduce_min3A_8 {offsets = [71, 0], sizes = [1, 128], strides = [1, 1]} : vector<128x128xi32> to vector<1x128xi32>
    %slice3A_80 = vector.extract_strided_slice %reduce_min3A_8 {offsets = [72, 0], sizes = [1, 128], strides = [1, 1]} : vector<128x128xi32> to vector<1x128xi32>
    %slice3A_81 = vector.extract_strided_slice %reduce_min3A_8 {offsets = [73, 0], sizes = [1, 128], strides = [1, 1]} : vector<128x128xi32> to vector<1x128xi32>
    %slice3A_82 = vector.extract_strided_slice %reduce_min3A_8 {offsets = [74, 0], sizes = [1, 128], strides = [1, 1]} : vector<128x128xi32> to vector<1x128xi32>
    %slice3A_83 = vector.extract_strided_slice %reduce_min3A_8 {offsets = [75, 0], sizes = [1, 128], strides = [1, 1]} : vector<128x128xi32> to vector<1x128xi32>
    %slice3A_84 = vector.extract_strided_slice %reduce_min3A_8 {offsets = [76, 0], sizes = [1, 128], strides = [1, 1]} : vector<128x128xi32> to vector<1x128xi32>
    %slice3A_85 = vector.extract_strided_slice %reduce_min3A_8 {offsets = [77, 0], sizes = [1, 128], strides = [1, 1]} : vector<128x128xi32> to vector<1x128xi32>
    %slice3A_86 = vector.extract_strided_slice %reduce_min3A_8 {offsets = [78, 0], sizes = [1, 128], strides = [1, 1]} : vector<128x128xi32> to vector<1x128xi32>
    %slice3A_87 = vector.extract_strided_slice %reduce_min3A_8 {offsets = [79, 0], sizes = [1, 128], strides = [1, 1]} : vector<128x128xi32> to vector<1x128xi32>
    %slice3A_88 = vector.extract_strided_slice %reduce_min3A_8 {offsets = [80, 0], sizes = [1, 128], strides = [1, 1]} : vector<128x128xi32> to vector<1x128xi32>
    %slice3A_89 = vector.extract_strided_slice %reduce_min3A_8 {offsets = [81, 0], sizes = [1, 128], strides = [1, 1]} : vector<128x128xi32> to vector<1x128xi32>
    %slice3A_90 = vector.extract_strided_slice %reduce_min3A_8 {offsets = [82, 0], sizes = [1, 128], strides = [1, 1]} : vector<128x128xi32> to vector<1x128xi32>
    %slice3A_91 = vector.extract_strided_slice %reduce_min3A_8 {offsets = [83, 0], sizes = [1, 128], strides = [1, 1]} : vector<128x128xi32> to vector<1x128xi32>
    %slice3A_92 = vector.extract_strided_slice %reduce_min3A_8 {offsets = [84, 0], sizes = [1, 128], strides = [1, 1]} : vector<128x128xi32> to vector<1x128xi32>
    %slice3A_93 = vector.extract_strided_slice %reduce_min3A_8 {offsets = [85, 0], sizes = [1, 128], strides = [1, 1]} : vector<128x128xi32> to vector<1x128xi32>
    %slice3A_94 = vector.extract_strided_slice %reduce_min3A_8 {offsets = [86, 0], sizes = [1, 128], strides = [1, 1]} : vector<128x128xi32> to vector<1x128xi32>
    %slice3A_95 = vector.extract_strided_slice %reduce_min3A_8 {offsets = [87, 0], sizes = [1, 128], strides = [1, 1]} : vector<128x128xi32> to vector<1x128xi32>
    %slice3A_96 = vector.extract_strided_slice %reduce_min3A_8 {offsets = [88, 0], sizes = [1, 128], strides = [1, 1]} : vector<128x128xi32> to vector<1x128xi32>
    %slice3A_97 = vector.extract_strided_slice %reduce_min3A_8 {offsets = [89, 0], sizes = [1, 128], strides = [1, 1]} : vector<128x128xi32> to vector<1x128xi32>
    %slice3A_98 = vector.extract_strided_slice %reduce_min3A_8 {offsets = [90, 0], sizes = [1, 128], strides = [1, 1]} : vector<128x128xi32> to vector<1x128xi32>
    %slice3A_99 = vector.extract_strided_slice %reduce_min3A_8 {offsets = [91, 0], sizes = [1, 128], strides = [1, 1]} : vector<128x128xi32> to vector<1x128xi32>
    %slice3A_100 = vector.extract_strided_slice %reduce_min3A_8 {offsets = [92, 0], sizes = [1, 128], strides = [1, 1]} : vector<128x128xi32> to vector<1x128xi32>
    %slice3A_101 = vector.extract_strided_slice %reduce_min3A_8 {offsets = [93, 0], sizes = [1, 128], strides = [1, 1]} : vector<128x128xi32> to vector<1x128xi32>
    %slice3A_102 = vector.extract_strided_slice %reduce_min3A_8 {offsets = [94, 0], sizes = [1, 128], strides = [1, 1]} : vector<128x128xi32> to vector<1x128xi32>
    %slice3A_103 = vector.extract_strided_slice %reduce_min3A_8 {offsets = [95, 0], sizes = [1, 128], strides = [1, 1]} : vector<128x128xi32> to vector<1x128xi32>
    %slice3A_104 = vector.extract_strided_slice %reduce_min3A_8 {offsets = [96, 0], sizes = [1, 128], strides = [1, 1]} : vector<128x128xi32> to vector<1x128xi32>
    %slice3A_105 = vector.extract_strided_slice %reduce_min3A_8 {offsets = [97, 0], sizes = [1, 128], strides = [1, 1]} : vector<128x128xi32> to vector<1x128xi32>
    %slice3A_106 = vector.extract_strided_slice %reduce_min3A_8 {offsets = [98, 0], sizes = [1, 128], strides = [1, 1]} : vector<128x128xi32> to vector<1x128xi32>
    %slice3A_107 = vector.extract_strided_slice %reduce_min3A_8 {offsets = [99, 0], sizes = [1, 128], strides = [1, 1]} : vector<128x128xi32> to vector<1x128xi32>
    %slice3A_108 = vector.extract_strided_slice %reduce_min3A_8 {offsets = [100, 0], sizes = [1, 128], strides = [1, 1]} : vector<128x128xi32> to vector<1x128xi32>
    %slice3A_109 = vector.extract_strided_slice %reduce_min3A_8 {offsets = [101, 0], sizes = [1, 128], strides = [1, 1]} : vector<128x128xi32> to vector<1x128xi32>
    %slice3A_110 = vector.extract_strided_slice %reduce_min3A_8 {offsets = [102, 0], sizes = [1, 128], strides = [1, 1]} : vector<128x128xi32> to vector<1x128xi32>
    %slice3A_111 = vector.extract_strided_slice %reduce_min3A_8 {offsets = [103, 0], sizes = [1, 128], strides = [1, 1]} : vector<128x128xi32> to vector<1x128xi32>
    %slice3A_112 = vector.extract_strided_slice %reduce_min3A_8 {offsets = [104, 0], sizes = [1, 128], strides = [1, 1]} : vector<128x128xi32> to vector<1x128xi32>
    %slice3A_113 = vector.extract_strided_slice %reduce_min3A_8 {offsets = [105, 0], sizes = [1, 128], strides = [1, 1]} : vector<128x128xi32> to vector<1x128xi32>
    %slice3A_114 = vector.extract_strided_slice %reduce_min3A_8 {offsets = [106, 0], sizes = [1, 128], strides = [1, 1]} : vector<128x128xi32> to vector<1x128xi32>
    %slice3A_115 = vector.extract_strided_slice %reduce_min3A_8 {offsets = [107, 0], sizes = [1, 128], strides = [1, 1]} : vector<128x128xi32> to vector<1x128xi32>
    %slice3A_116 = vector.extract_strided_slice %reduce_min3A_8 {offsets = [108, 0], sizes = [1, 128], strides = [1, 1]} : vector<128x128xi32> to vector<1x128xi32>
    %slice3A_117 = vector.extract_strided_slice %reduce_min3A_8 {offsets = [109, 0], sizes = [1, 128], strides = [1, 1]} : vector<128x128xi32> to vector<1x128xi32>
    %slice3A_118 = vector.extract_strided_slice %reduce_min3A_8 {offsets = [110, 0], sizes = [1, 128], strides = [1, 1]} : vector<128x128xi32> to vector<1x128xi32>
    %slice3A_119 = vector.extract_strided_slice %reduce_min3A_8 {offsets = [111, 0], sizes = [1, 128], strides = [1, 1]} : vector<128x128xi32> to vector<1x128xi32>
    %slice3A_120 = vector.extract_strided_slice %reduce_min3A_8 {offsets = [112, 0], sizes = [1, 128], strides = [1, 1]} : vector<128x128xi32> to vector<1x128xi32>
    %slice3A_121 = vector.extract_strided_slice %reduce_min3A_8 {offsets = [113, 0], sizes = [1, 128], strides = [1, 1]} : vector<128x128xi32> to vector<1x128xi32>
    %slice3A_122 = vector.extract_strided_slice %reduce_min3A_8 {offsets = [114, 0], sizes = [1, 128], strides = [1, 1]} : vector<128x128xi32> to vector<1x128xi32>
    %slice3A_123 = vector.extract_strided_slice %reduce_min3A_8 {offsets = [115, 0], sizes = [1, 128], strides = [1, 1]} : vector<128x128xi32> to vector<1x128xi32>
    %slice3A_124 = vector.extract_strided_slice %reduce_min3A_8 {offsets = [116, 0], sizes = [1, 128], strides = [1, 1]} : vector<128x128xi32> to vector<1x128xi32>
    %slice3A_125 = vector.extract_strided_slice %reduce_min3A_8 {offsets = [117, 0], sizes = [1, 128], strides = [1, 1]} : vector<128x128xi32> to vector<1x128xi32>
    %slice3A_126 = vector.extract_strided_slice %reduce_min3A_8 {offsets = [118, 0], sizes = [1, 128], strides = [1, 1]} : vector<128x128xi32> to vector<1x128xi32>
    %slice3A_127 = vector.extract_strided_slice %reduce_min3A_8 {offsets = [119, 0], sizes = [1, 128], strides = [1, 1]} : vector<128x128xi32> to vector<1x128xi32>
    %slice3A_128 = vector.extract_strided_slice %reduce_min3A_8 {offsets = [120, 0], sizes = [1, 128], strides = [1, 1]} : vector<128x128xi32> to vector<1x128xi32>
    %slice3A_129 = vector.extract_strided_slice %reduce_min3A_8 {offsets = [121, 0], sizes = [1, 128], strides = [1, 1]} : vector<128x128xi32> to vector<1x128xi32>
    %slice3A_130 = vector.extract_strided_slice %reduce_min3A_8 {offsets = [122, 0], sizes = [1, 128], strides = [1, 1]} : vector<128x128xi32> to vector<1x128xi32>
    %slice3A_131 = vector.extract_strided_slice %reduce_min3A_8 {offsets = [123, 0], sizes = [1, 128], strides = [1, 1]} : vector<128x128xi32> to vector<1x128xi32>
    %slice3A_132 = vector.extract_strided_slice %reduce_min3A_8 {offsets = [124, 0], sizes = [1, 128], strides = [1, 1]} : vector<128x128xi32> to vector<1x128xi32>
    %slice3A_133 = vector.extract_strided_slice %reduce_min3A_8 {offsets = [125, 0], sizes = [1, 128], strides = [1, 1]} : vector<128x128xi32> to vector<1x128xi32>
    %slice3A_134 = vector.extract_strided_slice %reduce_min3A_8 {offsets = [126, 0], sizes = [1, 128], strides = [1, 1]} : vector<128x128xi32> to vector<1x128xi32>
    %slice3A_135 = vector.extract_strided_slice %reduce_min3A_8 {offsets = [127, 0], sizes = [1, 128], strides = [1, 1]} : vector<128x128xi32> to vector<1x128xi32>
    %concatenate3A = tpu.concatenate %slice3A, %slice3A_9, %slice3A_10, %slice3A_11, %slice3A_12, %slice3A_13, %slice3A_14, %slice3A_15, %slice3A_16, %slice3A_17, %slice3A_18, %slice3A_19, %slice3A_20, %slice3A_21, %slice3A_22, %slice3A_23, %slice3A_24, %slice3A_25, %slice3A_26, %slice3A_27, %slice3A_28, %slice3A_29, %slice3A_30, %slice3A_31, %slice3A_32, %slice3A_33, %slice3A_34, %slice3A_35, %slice3A_36, %slice3A_37, %slice3A_38, %slice3A_39, %slice3A_40, %slice3A_41, %slice3A_42, %slice3A_43, %slice3A_44, %slice3A_45, %slice3A_46, %slice3A_47, %slice3A_48, %slice3A_49, %slice3A_50, %slice3A_51, %slice3A_52, %slice3A_53, %slice3A_54, %slice3A_55, %slice3A_56, %slice3A_57, %slice3A_58, %slice3A_59, %slice3A_60, %slice3A_61, %slice3A_62, %slice3A_63, %slice3A_64, %slice3A_65, %slice3A_66, %slice3A_67, %slice3A_68, %slice3A_69, %slice3A_70, %slice3A_71, %slice3A_72, %slice3A_73, %slice3A_74, %slice3A_75, %slice3A_76, %slice3A_77, %slice3A_78, %slice3A_79, %slice3A_80, %slice3A_81, %slice3A_82, %slice3A_83, %slice3A_84, %slice3A_85, %slice3A_86, %slice3A_87, %slice3A_88, %slice3A_89, %slice3A_90, %slice3A_91, %slice3A_92, %slice3A_93, %slice3A_94, %slice3A_95, %slice3A_96, %slice3A_97, %slice3A_98, %slice3A_99, %slice3A_100, %slice3A_101, %slice3A_102, %slice3A_103, %slice3A_104, %slice3A_105, %slice3A_106, %slice3A_107, %slice3A_108, %slice3A_109, %slice3A_110, %slice3A_111, %slice3A_112, %slice3A_113, %slice3A_114, %slice3A_115, %slice3A_116, %slice3A_117, %slice3A_118, %slice3A_119, %slice3A_120, %slice3A_121, %slice3A_122, %slice3A_123, %slice3A_124, %slice3A_125, %slice3A_126, %slice3A_127, %slice3A_128, %slice3A_129, %slice3A_130, %slice3A_131, %slice3A_132, %slice3A_133, %slice3A_134, %slice3A_135 in 1 : vector<1x128xi32>, vector<1x128xi32>, vector<1x128xi32>, vector<1x128xi32>, vector<1x128xi32>, vector<1x128xi32>, vector<1x128xi32>, vector<1x128xi32>, vector<1x128xi32>, vector<1x128xi32>, vector<1x128xi32>, vector<1x128xi32>, vector<1x128xi32>, vector<1x128xi32>, vector<1x128xi32>, vector<1x128xi32>, vector<1x128xi32>, vector<1x128xi32>, vector<1x128xi32>, vector<1x128xi32>, vector<1x128xi32>, vector<1x128xi32>, vector<1x128xi32>, vector<1x128xi32>, vector<1x128xi32>, vector<1x128xi32>, vector<1x128xi32>, vector<1x128xi32>, vector<1x128xi32>, vector<1x128xi32>, vector<1x128xi32>, vector<1x128xi32>, vector<1x128xi32>, vector<1x128xi32>, vector<1x128xi32>, vector<1x128xi32>, vector<1x128xi32>, vector<1x128xi32>, vector<1x128xi32>, vector<1x128xi32>, vector<1x128xi32>, vector<1x128xi32>, vector<1x128xi32>, vector<1x128xi32>, vector<1x128xi32>, vector<1x128xi32>, vector<1x128xi32>, vector<1x128xi32>, vector<1x128xi32>, vector<1x128xi32>, vector<1x128xi32>, vector<1x128xi32>, vector<1x128xi32>, vector<1x128xi32>, vector<1x128xi32>, vector<1x128xi32>, vector<1x128xi32>, vector<1x128xi32>, vector<1x128xi32>, vector<1x128xi32>, vector<1x128xi32>, vector<1x128xi32>, vector<1x128xi32>, vector<1x128xi32>, vector<1x128xi32>, vector<1x128xi32>, vector<1x128xi32>, vector<1x128xi32>, vector<1x128xi32>, vector<1x128xi32>, vector<1x128xi32>, vector<1x128xi32>, vector<1x128xi32>, vector<1x128xi32>, vector<1x128xi32>, vector<1x128xi32>, vector<1x128xi32>, vector<1x128xi32>, vector<1x128xi32>, vector<1x128xi32>, vector<1x128xi32>, vector<1x128xi32>, vector<1x128xi32>, vector<1x128xi32>, vector<1x128xi32>, vector<1x128xi32>, vector<1x128xi32>, vector<1x128xi32>, vector<1x128xi32>, vector<1x128xi32>, vector<1x128xi32>, vector<1x128xi32>, vector<1x128xi32>, vector<1x128xi32>, vector<1x128xi32>, vector<1x128xi32>, vector<1x128xi32>, vector<1x128xi32>, vector<1x128xi32>, vector<1x128xi32>, vector<1x128xi32>, vector<1x128xi32>, vector<1x128xi32>, vector<1x128xi32>, vector<1x128xi32>, vector<1x128xi32>, vector<1x128xi32>, vector<1x128xi32>, vector<1x128xi32>, vector<1x128xi32>, vector<1x128xi32>, vector<1x128xi32>, vector<1x128xi32>, vector<1x128xi32>, vector<1x128xi32>, vector<1x128xi32>, vector<1x128xi32>, vector<1x128xi32>, vector<1x128xi32>, vector<1x128xi32>, vector<1x128xi32>, vector<1x128xi32>, vector<1x128xi32>, vector<1x128xi32>, vector<1x128xi32>, vector<1x128xi32>, vector<1x128xi32>, vector<1x128xi32> -> vector<1x16384xi32>
    %swap3A = arith.index_cast %arg1 : i32 to index
    %swap3A_136 = arith.constant 0 : index
    %swap3A_137 = vector.load %arg5[%swap3A, %swap3A_136] : memref<8x16384xi32, #tpu.memory_space<vmem>>, vector<1x16384xi32>
    tpu.vector_store %arg5[%swap3A, %swap3A_136], %concatenate3A {strides = array<i32>} : memref<8x16384xi32, #tpu.memory_space<vmem>>, vector<1x16384xi32>,
    %get3A_138 = arith.constant 0 : index
    %get3A_139 = arith.constant 0 : index
    %get3A_140 = arith.constant 0 : index
    %get3A_141 = vector.load %arg3[%get3A_138, %get3A_139, %get3A_140] : memref<1x128x128xf32, #tpu.memory_space<vmem>>, vector<1x128x128xf32>
    %get3A_142 = vector.shape_cast %get3A_141 : vector<1x128x128xf32> to vector<128x128xf32>
    %neg3A = arith.constant 0.000000e+00 : f32
    %neg3A_143 = vector.broadcast %neg3A : f32 to vector<128x128xf32>
    %neg3A_144 = arith.subf %neg3A_143, %get3A_142 : vector<128x128xf32>
    %exp3A = math.exp %neg3A_144 : vector<128x128xf32>
    %add3A = arith.constant 1.000000e+00 : f32
    %add3A_145 = vector.broadcast %add3A : f32 to vector<128x128xf32>
    %add3A_146 = arith.addf %add3A_145, %exp3A : vector<128x128xf32>
    %div3A = arith.constant 1.000000e+00 : f32
    %div3A_147 = vector.broadcast %div3A : f32 to vector<128x128xf32>
    %div3A_148 = arith.divf %div3A_147, %add3A_146 : vector<128x128xf32>
    %neg3A_149 = arith.constant 0.000000e+00 : f32
    %neg3A_150 = vector.broadcast %neg3A_149 : f32 to vector<128x128xf32>
    %neg3A_151 = arith.subf %neg3A_150, %reduce_max3A_5 : vector<128x128xf32>
    %exp3A_152 = math.exp %neg3A_151 : vector<128x128xf32>
    %add3A_153 = arith.constant 1.000000e+00 : f32
    %add3A_154 = vector.broadcast %add3A_153 : f32 to vector<128x128xf32>
    %add3A_155 = arith.addf %add3A_154, %exp3A_152 : vector<128x128xf32>
    %div3A_156 = arith.constant 1.000000e+00 : f32
    %div3A_157 = vector.broadcast %div3A_156 : f32 to vector<128x128xf32>
    %div3A_158 = arith.divf %div3A_157, %add3A_155 : vector<128x128xf32>
    %mul3A = arith.mulf %div3A_148, %div3A_158 : vector<128x128xf32>
    %sqrt3A = math.sqrt %mul3A : vector<128x128xf32>
    %slice3A_159 = vector.extract_strided_slice %sqrt3A {offsets = [0, 0], sizes = [1, 128], strides = [1, 1]} : vector<128x128xf32> to vector<1x128xf32>
    %slice3A_160 = vector.extract_strided_slice %sqrt3A {offsets = [1, 0], sizes = [1, 128], strides = [1, 1]} : vector<128x128xf32> to vector<1x128xf32>
    %slice3A_161 = vector.extract_strided_slice %sqrt3A {offsets = [2, 0], sizes = [1, 128], strides = [1, 1]} : vector<128x128xf32> to vector<1x128xf32>
    %slice3A_162 = vector.extract_strided_slice %sqrt3A {offsets = [3, 0], sizes = [1, 128], strides = [1, 1]} : vector<128x128xf32> to vector<1x128xf32>
    %slice3A_163 = vector.extract_strided_slice %sqrt3A {offsets = [4, 0], sizes = [1, 128], strides = [1, 1]} : vector<128x128xf32> to vector<1x128xf32>
    %slice3A_164 = vector.extract_strided_slice %sqrt3A {offsets = [5, 0], sizes = [1, 128], strides = [1, 1]} : vector<128x128xf32> to vector<1x128xf32>
    %slice3A_165 = vector.extract_strided_slice %sqrt3A {offsets = [6, 0], sizes = [1, 128], strides = [1, 1]} : vector<128x128xf32> to vector<1x128xf32>
    %slice3A_166 = vector.extract_strided_slice %sqrt3A {offsets = [7, 0], sizes = [1, 128], strides = [1, 1]} : vector<128x128xf32> to vector<1x128xf32>
    %slice3A_167 = vector.extract_strided_slice %sqrt3A {offsets = [8, 0], sizes = [1, 128], strides = [1, 1]} : vector<128x128xf32> to vector<1x128xf32>
    %slice3A_168 = vector.extract_strided_slice %sqrt3A {offsets = [9, 0], sizes = [1, 128], strides = [1, 1]} : vector<128x128xf32> to vector<1x128xf32>
    %slice3A_169 = vector.extract_strided_slice %sqrt3A {offsets = [10, 0], sizes = [1, 128], strides = [1, 1]} : vector<128x128xf32> to vector<1x128xf32>
    %slice3A_170 = vector.extract_strided_slice %sqrt3A {offsets = [11, 0], sizes = [1, 128], strides = [1, 1]} : vector<128x128xf32> to vector<1x128xf32>
    %slice3A_171 = vector.extract_strided_slice %sqrt3A {offsets = [12, 0], sizes = [1, 128], strides = [1, 1]} : vector<128x128xf32> to vector<1x128xf32>
    %slice3A_172 = vector.extract_strided_slice %sqrt3A {offsets = [13, 0], sizes = [1, 128], strides = [1, 1]} : vector<128x128xf32> to vector<1x128xf32>
    %slice3A_173 = vector.extract_strided_slice %sqrt3A {offsets = [14, 0], sizes = [1, 128], strides = [1, 1]} : vector<128x128xf32> to vector<1x128xf32>
    %slice3A_174 = vector.extract_strided_slice %sqrt3A {offsets = [15, 0], sizes = [1, 128], strides = [1, 1]} : vector<128x128xf32> to vector<1x128xf32>
    %slice3A_175 = vector.extract_strided_slice %sqrt3A {offsets = [16, 0], sizes = [1, 128], strides = [1, 1]} : vector<128x128xf32> to vector<1x128xf32>
    %slice3A_176 = vector.extract_strided_slice %sqrt3A {offsets = [17, 0], sizes = [1, 128], strides = [1, 1]} : vector<128x128xf32> to vector<1x128xf32>
    %slice3A_177 = vector.extract_strided_slice %sqrt3A {offsets = [18, 0], sizes = [1, 128], strides = [1, 1]} : vector<128x128xf32> to vector<1x128xf32>
    %slice3A_178 = vector.extract_strided_slice %sqrt3A {offsets = [19, 0], sizes = [1, 128], strides = [1, 1]} : vector<128x128xf32> to vector<1x128xf32>
    %slice3A_179 = vector.extract_strided_slice %sqrt3A {offsets = [20, 0], sizes = [1, 128], strides = [1, 1]} : vector<128x128xf32> to vector<1x128xf32>
    %slice3A_180 = vector.extract_strided_slice %sqrt3A {offsets = [21, 0], sizes = [1, 128], strides = [1, 1]} : vector<128x128xf32> to vector<1x128xf32>
    %slice3A_181 = vector.extract_strided_slice %sqrt3A {offsets = [22, 0], sizes = [1, 128], strides = [1, 1]} : vector<128x128xf32> to vector<1x128xf32>
    %slice3A_182 = vector.extract_strided_slice %sqrt3A {offsets = [23, 0], sizes = [1, 128], strides = [1, 1]} : vector<128x128xf32> to vector<1x128xf32>
    %slice3A_183 = vector.extract_strided_slice %sqrt3A {offsets = [24, 0], sizes = [1, 128], strides = [1, 1]} : vector<128x128xf32> to vector<1x128xf32>
    %slice3A_184 = vector.extract_strided_slice %sqrt3A {offsets = [25, 0], sizes = [1, 128], strides = [1, 1]} : vector<128x128xf32> to vector<1x128xf32>
    %slice3A_185 = vector.extract_strided_slice %sqrt3A {offsets = [26, 0], sizes = [1, 128], strides = [1, 1]} : vector<128x128xf32> to vector<1x128xf32>
    %slice3A_186 = vector.extract_strided_slice %sqrt3A {offsets = [27, 0], sizes = [1, 128], strides = [1, 1]} : vector<128x128xf32> to vector<1x128xf32>
    %slice3A_187 = vector.extract_strided_slice %sqrt3A {offsets = [28, 0], sizes = [1, 128], strides = [1, 1]} : vector<128x128xf32> to vector<1x128xf32>
    %slice3A_188 = vector.extract_strided_slice %sqrt3A {offsets = [29, 0], sizes = [1, 128], strides = [1, 1]} : vector<128x128xf32> to vector<1x128xf32>
    %slice3A_189 = vector.extract_strided_slice %sqrt3A {offsets = [30, 0], sizes = [1, 128], strides = [1, 1]} : vector<128x128xf32> to vector<1x128xf32>
    %slice3A_190 = vector.extract_strided_slice %sqrt3A {offsets = [31, 0], sizes = [1, 128], strides = [1, 1]} : vector<128x128xf32> to vector<1x128xf32>
    %slice3A_191 = vector.extract_strided_slice %sqrt3A {offsets = [32, 0], sizes = [1, 128], strides = [1, 1]} : vector<128x128xf32> to vector<1x128xf32>
    %slice3A_192 = vector.extract_strided_slice %sqrt3A {offsets = [33, 0], sizes = [1, 128], strides = [1, 1]} : vector<128x128xf32> to vector<1x128xf32>
    %slice3A_193 = vector.extract_strided_slice %sqrt3A {offsets = [34, 0], sizes = [1, 128], strides = [1, 1]} : vector<128x128xf32> to vector<1x128xf32>
    %slice3A_194 = vector.extract_strided_slice %sqrt3A {offsets = [35, 0], sizes = [1, 128], strides = [1, 1]} : vector<128x128xf32> to vector<1x128xf32>
    %slice3A_195 = vector.extract_strided_slice %sqrt3A {offsets = [36, 0], sizes = [1, 128], strides = [1, 1]} : vector<128x128xf32> to vector<1x128xf32>
    %slice3A_196 = vector.extract_strided_slice %sqrt3A {offsets = [37, 0], sizes = [1, 128], strides = [1, 1]} : vector<128x128xf32> to vector<1x128xf32>
    %slice3A_197 = vector.extract_strided_slice %sqrt3A {offsets = [38, 0], sizes = [1, 128], strides = [1, 1]} : vector<128x128xf32> to vector<1x128xf32>
    %slice3A_198 = vector.extract_strided_slice %sqrt3A {offsets = [39, 0], sizes = [1, 128], strides = [1, 1]} : vector<128x128xf32> to vector<1x128xf32>
    %slice3A_199 = vector.extract_strided_slice %sqrt3A {offsets = [40, 0], sizes = [1, 128], strides = [1, 1]} : vector<128x128xf32> to vector<1x128xf32>
    %slice3A_200 = vector.extract_strided_slice %sqrt3A {offsets = [41, 0], sizes = [1, 128], strides = [1, 1]} : vector<128x128xf32> to vector<1x128xf32>
    %slice3A_201 = vector.extract_strided_slice %sqrt3A {offsets = [42, 0], sizes = [1, 128], strides = [1, 1]} : vector<128x128xf32> to vector<1x128xf32>
    %slice3A_202 = vector.extract_strided_slice %sqrt3A {offsets = [43, 0], sizes = [1, 128], strides = [1, 1]} : vector<128x128xf32> to vector<1x128xf32>
    %slice3A_203 = vector.extract_strided_slice %sqrt3A {offsets = [44, 0], sizes = [1, 128], strides = [1, 1]} : vector<128x128xf32> to vector<1x128xf32>
    %slice3A_204 = vector.extract_strided_slice %sqrt3A {offsets = [45, 0], sizes = [1, 128], strides = [1, 1]} : vector<128x128xf32> to vector<1x128xf32>
    %slice3A_205 = vector.extract_strided_slice %sqrt3A {offsets = [46, 0], sizes = [1, 128], strides = [1, 1]} : vector<128x128xf32> to vector<1x128xf32>
    %slice3A_206 = vector.extract_strided_slice %sqrt3A {offsets = [47, 0], sizes = [1, 128], strides = [1, 1]} : vector<128x128xf32> to vector<1x128xf32>
    %slice3A_207 = vector.extract_strided_slice %sqrt3A {offsets = [48, 0], sizes = [1, 128], strides = [1, 1]} : vector<128x128xf32> to vector<1x128xf32>
    %slice3A_208 = vector.extract_strided_slice %sqrt3A {offsets = [49, 0], sizes = [1, 128], strides = [1, 1]} : vector<128x128xf32> to vector<1x128xf32>
    %slice3A_209 = vector.extract_strided_slice %sqrt3A {offsets = [50, 0], sizes = [1, 128], strides = [1, 1]} : vector<128x128xf32> to vector<1x128xf32>
    %slice3A_210 = vector.extract_strided_slice %sqrt3A {offsets = [51, 0], sizes = [1, 128], strides = [1, 1]} : vector<128x128xf32> to vector<1x128xf32>
    %slice3A_211 = vector.extract_strided_slice %sqrt3A {offsets = [52, 0], sizes = [1, 128], strides = [1, 1]} : vector<128x128xf32> to vector<1x128xf32>
    %slice3A_212 = vector.extract_strided_slice %sqrt3A {offsets = [53, 0], sizes = [1, 128], strides = [1, 1]} : vector<128x128xf32> to vector<1x128xf32>
    %slice3A_213 = vector.extract_strided_slice %sqrt3A {offsets = [54, 0], sizes = [1, 128], strides = [1, 1]} : vector<128x128xf32> to vector<1x128xf32>
    %slice3A_214 = vector.extract_strided_slice %sqrt3A {offsets = [55, 0], sizes = [1, 128], strides = [1, 1]} : vector<128x128xf32> to vector<1x128xf32>
    %slice3A_215 = vector.extract_strided_slice %sqrt3A {offsets = [56, 0], sizes = [1, 128], strides = [1, 1]} : vector<128x128xf32> to vector<1x128xf32>
    %slice3A_216 = vector.extract_strided_slice %sqrt3A {offsets = [57, 0], sizes = [1, 128], strides = [1, 1]} : vector<128x128xf32> to vector<1x128xf32>
    %slice3A_217 = vector.extract_strided_slice %sqrt3A {offsets = [58, 0], sizes = [1, 128], strides = [1, 1]} : vector<128x128xf32> to vector<1x128xf32>
    %slice3A_218 = vector.extract_strided_slice %sqrt3A {offsets = [59, 0], sizes = [1, 128], strides = [1, 1]} : vector<128x128xf32> to vector<1x128xf32>
    %slice3A_219 = vector.extract_strided_slice %sqrt3A {offsets = [60, 0], sizes = [1, 128], strides = [1, 1]} : vector<128x128xf32> to vector<1x128xf32>
    %slice3A_220 = vector.extract_strided_slice %sqrt3A {offsets = [61, 0], sizes = [1, 128], strides = [1, 1]} : vector<128x128xf32> to vector<1x128xf32>
    %slice3A_221 = vector.extract_strided_slice %sqrt3A {offsets = [62, 0], sizes = [1, 128], strides = [1, 1]} : vector<128x128xf32> to vector<1x128xf32>
    %slice3A_222 = vector.extract_strided_slice %sqrt3A {offsets = [63, 0], sizes = [1, 128], strides = [1, 1]} : vector<128x128xf32> to vector<1x128xf32>
    %slice3A_223 = vector.extract_strided_slice %sqrt3A {offsets = [64, 0], sizes = [1, 128], strides = [1, 1]} : vector<128x128xf32> to vector<1x128xf32>
    %slice3A_224 = vector.extract_strided_slice %sqrt3A {offsets = [65, 0], sizes = [1, 128], strides = [1, 1]} : vector<128x128xf32> to vector<1x128xf32>
    %slice3A_225 = vector.extract_strided_slice %sqrt3A {offsets = [66, 0], sizes = [1, 128], strides = [1, 1]} : vector<128x128xf32> to vector<1x128xf32>
    %slice3A_226 = vector.extract_strided_slice %sqrt3A {offsets = [67, 0], sizes = [1, 128], strides = [1, 1]} : vector<128x128xf32> to vector<1x128xf32>
    %slice3A_227 = vector.extract_strided_slice %sqrt3A {offsets = [68, 0], sizes = [1, 128], strides = [1, 1]} : vector<128x128xf32> to vector<1x128xf32>
    %slice3A_228 = vector.extract_strided_slice %sqrt3A {offsets = [69, 0], sizes = [1, 128], strides = [1, 1]} : vector<128x128xf32> to vector<1x128xf32>
    %slice3A_229 = vector.extract_strided_slice %sqrt3A {offsets = [70, 0], sizes = [1, 128], strides = [1, 1]} : vector<128x128xf32> to vector<1x128xf32>
    %slice3A_230 = vector.extract_strided_slice %sqrt3A {offsets = [71, 0], sizes = [1, 128], strides = [1, 1]} : vector<128x128xf32> to vector<1x128xf32>
    %slice3A_231 = vector.extract_strided_slice %sqrt3A {offsets = [72, 0], sizes = [1, 128], strides = [1, 1]} : vector<128x128xf32> to vector<1x128xf32>
    %slice3A_232 = vector.extract_strided_slice %sqrt3A {offsets = [73, 0], sizes = [1, 128], strides = [1, 1]} : vector<128x128xf32> to vector<1x128xf32>
    %slice3A_233 = vector.extract_strided_slice %sqrt3A {offsets = [74, 0], sizes = [1, 128], strides = [1, 1]} : vector<128x128xf32> to vector<1x128xf32>
    %slice3A_234 = vector.extract_strided_slice %sqrt3A {offsets = [75, 0], sizes = [1, 128], strides = [1, 1]} : vector<128x128xf32> to vector<1x128xf32>
    %slice3A_235 = vector.extract_strided_slice %sqrt3A {offsets = [76, 0], sizes = [1, 128], strides = [1, 1]} : vector<128x128xf32> to vector<1x128xf32>
    %slice3A_236 = vector.extract_strided_slice %sqrt3A {offsets = [77, 0], sizes = [1, 128], strides = [1, 1]} : vector<128x128xf32> to vector<1x128xf32>
    %slice3A_237 = vector.extract_strided_slice %sqrt3A {offsets = [78, 0], sizes = [1, 128], strides = [1, 1]} : vector<128x128xf32> to vector<1x128xf32>
    %slice3A_238 = vector.extract_strided_slice %sqrt3A {offsets = [79, 0], sizes = [1, 128], strides = [1, 1]} : vector<128x128xf32> to vector<1x128xf32>
    %slice3A_239 = vector.extract_strided_slice %sqrt3A {offsets = [80, 0], sizes = [1, 128], strides = [1, 1]} : vector<128x128xf32> to vector<1x128xf32>
    %slice3A_240 = vector.extract_strided_slice %sqrt3A {offsets = [81, 0], sizes = [1, 128], strides = [1, 1]} : vector<128x128xf32> to vector<1x128xf32>
    %slice3A_241 = vector.extract_strided_slice %sqrt3A {offsets = [82, 0], sizes = [1, 128], strides = [1, 1]} : vector<128x128xf32> to vector<1x128xf32>
    %slice3A_242 = vector.extract_strided_slice %sqrt3A {offsets = [83, 0], sizes = [1, 128], strides = [1, 1]} : vector<128x128xf32> to vector<1x128xf32>
    %slice3A_243 = vector.extract_strided_slice %sqrt3A {offsets = [84, 0], sizes = [1, 128], strides = [1, 1]} : vector<128x128xf32> to vector<1x128xf32>
    %slice3A_244 = vector.extract_strided_slice %sqrt3A {offsets = [85, 0], sizes = [1, 128], strides = [1, 1]} : vector<128x128xf32> to vector<1x128xf32>
    %slice3A_245 = vector.extract_strided_slice %sqrt3A {offsets = [86, 0], sizes = [1, 128], strides = [1, 1]} : vector<128x128xf32> to vector<1x128xf32>
    %slice3A_246 = vector.extract_strided_slice %sqrt3A {offsets = [87, 0], sizes = [1, 128], strides = [1, 1]} : vector<128x128xf32> to vector<1x128xf32>
    %slice3A_247 = vector.extract_strided_slice %sqrt3A {offsets = [88, 0], sizes = [1, 128], strides = [1, 1]} : vector<128x128xf32> to vector<1x128xf32>
    %slice3A_248 = vector.extract_strided_slice %sqrt3A {offsets = [89, 0], sizes = [1, 128], strides = [1, 1]} : vector<128x128xf32> to vector<1x128xf32>
    %slice3A_249 = vector.extract_strided_slice %sqrt3A {offsets = [90, 0], sizes = [1, 128], strides = [1, 1]} : vector<128x128xf32> to vector<1x128xf32>
    %slice3A_250 = vector.extract_strided_slice %sqrt3A {offsets = [91, 0], sizes = [1, 128], strides = [1, 1]} : vector<128x128xf32> to vector<1x128xf32>
    %slice3A_251 = vector.extract_strided_slice %sqrt3A {offsets = [92, 0], sizes = [1, 128], strides = [1, 1]} : vector<128x128xf32> to vector<1x128xf32>
    %slice3A_252 = vector.extract_strided_slice %sqrt3A {offsets = [93, 0], sizes = [1, 128], strides = [1, 1]} : vector<128x128xf32> to vector<1x128xf32>
    %slice3A_253 = vector.extract_strided_slice %sqrt3A {offsets = [94, 0], sizes = [1, 128], strides = [1, 1]} : vector<128x128xf32> to vector<1x128xf32>
    %slice3A_254 = vector.extract_strided_slice %sqrt3A {offsets = [95, 0], sizes = [1, 128], strides = [1, 1]} : vector<128x128xf32> to vector<1x128xf32>
    %slice3A_255 = vector.extract_strided_slice %sqrt3A {offsets = [96, 0], sizes = [1, 128], strides = [1, 1]} : vector<128x128xf32> to vector<1x128xf32>
    %slice3A_256 = vector.extract_strided_slice %sqrt3A {offsets = [97, 0], sizes = [1, 128], strides = [1, 1]} : vector<128x128xf32> to vector<1x128xf32>
    %slice3A_257 = vector.extract_strided_slice %sqrt3A {offsets = [98, 0], sizes = [1, 128], strides = [1, 1]} : vector<128x128xf32> to vector<1x128xf32>
    %slice3A_258 = vector.extract_strided_slice %sqrt3A {offsets = [99, 0], sizes = [1, 128], strides = [1, 1]} : vector<128x128xf32> to vector<1x128xf32>
    %slice3A_259 = vector.extract_strided_slice %sqrt3A {offsets = [100, 0], sizes = [1, 128], strides = [1, 1]} : vector<128x128xf32> to vector<1x128xf32>
    %slice3A_260 = vector.extract_strided_slice %sqrt3A {offsets = [101, 0], sizes = [1, 128], strides = [1, 1]} : vector<128x128xf32> to vector<1x128xf32>
    %slice3A_261 = vector.extract_strided_slice %sqrt3A {offsets = [102, 0], sizes = [1, 128], strides = [1, 1]} : vector<128x128xf32> to vector<1x128xf32>
    %slice3A_262 = vector.extract_strided_slice %sqrt3A {offsets = [103, 0], sizes = [1, 128], strides = [1, 1]} : vector<128x128xf32> to vector<1x128xf32>
    %slice3A_263 = vector.extract_strided_slice %sqrt3A {offsets = [104, 0], sizes = [1, 128], strides = [1, 1]} : vector<128x128xf32> to vector<1x128xf32>
    %slice3A_264 = vector.extract_strided_slice %sqrt3A {offsets = [105, 0], sizes = [1, 128], strides = [1, 1]} : vector<128x128xf32> to vector<1x128xf32>
    %slice3A_265 = vector.extract_strided_slice %sqrt3A {offsets = [106, 0], sizes = [1, 128], strides = [1, 1]} : vector<128x128xf32> to vector<1x128xf32>
    %slice3A_266 = vector.extract_strided_slice %sqrt3A {offsets = [107, 0], sizes = [1, 128], strides = [1, 1]} : vector<128x128xf32> to vector<1x128xf32>
    %slice3A_267 = vector.extract_strided_slice %sqrt3A {offsets = [108, 0], sizes = [1, 128], strides = [1, 1]} : vector<128x128xf32> to vector<1x128xf32>
    %slice3A_268 = vector.extract_strided_slice %sqrt3A {offsets = [109, 0], sizes = [1, 128], strides = [1, 1]} : vector<128x128xf32> to vector<1x128xf32>
    %slice3A_269 = vector.extract_strided_slice %sqrt3A {offsets = [110, 0], sizes = [1, 128], strides = [1, 1]} : vector<128x128xf32> to vector<1x128xf32>
    %slice3A_270 = vector.extract_strided_slice %sqrt3A {offsets = [111, 0], sizes = [1, 128], strides = [1, 1]} : vector<128x128xf32> to vector<1x128xf32>
    %slice3A_271 = vector.extract_strided_slice %sqrt3A {offsets = [112, 0], sizes = [1, 128], strides = [1, 1]} : vector<128x128xf32> to vector<1x128xf32>
    %slice3A_272 = vector.extract_strided_slice %sqrt3A {offsets = [113, 0], sizes = [1, 128], strides = [1, 1]} : vector<128x128xf32> to vector<1x128xf32>
    %slice3A_273 = vector.extract_strided_slice %sqrt3A {offsets = [114, 0], sizes = [1, 128], strides = [1, 1]} : vector<128x128xf32> to vector<1x128xf32>
    %slice3A_274 = vector.extract_strided_slice %sqrt3A {offsets = [115, 0], sizes = [1, 128], strides = [1, 1]} : vector<128x128xf32> to vector<1x128xf32>
    %slice3A_275 = vector.extract_strided_slice %sqrt3A {offsets = [116, 0], sizes = [1, 128], strides = [1, 1]} : vector<128x128xf32> to vector<1x128xf32>
    %slice3A_276 = vector.extract_strided_slice %sqrt3A {offsets = [117, 0], sizes = [1, 128], strides = [1, 1]} : vector<128x128xf32> to vector<1x128xf32>
    %slice3A_277 = vector.extract_strided_slice %sqrt3A {offsets = [118, 0], sizes = [1, 128], strides = [1, 1]} : vector<128x128xf32> to vector<1x128xf32>
    %slice3A_278 = vector.extract_strided_slice %sqrt3A {offsets = [119, 0], sizes = [1, 128], strides = [1, 1]} : vector<128x128xf32> to vector<1x128xf32>
    %slice3A_279 = vector.extract_strided_slice %sqrt3A {offsets = [120, 0], sizes = [1, 128], strides = [1, 1]} : vector<128x128xf32> to vector<1x128xf32>
    %slice3A_280 = vector.extract_strided_slice %sqrt3A {offsets = [121, 0], sizes = [1, 128], strides = [1, 1]} : vector<128x128xf32> to vector<1x128xf32>
    %slice3A_281 = vector.extract_strided_slice %sqrt3A {offsets = [122, 0], sizes = [1, 128], strides = [1, 1]} : vector<128x128xf32> to vector<1x128xf32>
    %slice3A_282 = vector.extract_strided_slice %sqrt3A {offsets = [123, 0], sizes = [1, 128], strides = [1, 1]} : vector<128x128xf32> to vector<1x128xf32>
    %slice3A_283 = vector.extract_strided_slice %sqrt3A {offsets = [124, 0], sizes = [1, 128], strides = [1, 1]} : vector<128x128xf32> to vector<1x128xf32>
    %slice3A_284 = vector.extract_strided_slice %sqrt3A {offsets = [125, 0], sizes = [1, 128], strides = [1, 1]} : vector<128x128xf32> to vector<1x128xf32>
    %slice3A_285 = vector.extract_strided_slice %sqrt3A {offsets = [126, 0], sizes = [1, 128], strides = [1, 1]} : vector<128x128xf32> to vector<1x128xf32>
    %slice3A_286 = vector.extract_strided_slice %sqrt3A {offsets = [127, 0], sizes = [1, 128], strides = [1, 1]} : vector<128x128xf32> to vector<1x128xf32>
    %concatenate3A_287 = tpu.concatenate %slice3A_159, %slice3A_160, %slice3A_161, %slice3A_162, %slice3A_163, %slice3A_164, %slice3A_165, %slice3A_166, %slice3A_167, %slice3A_168, %slice3A_169, %slice3A_170, %slice3A_171, %slice3A_172, %slice3A_173, %slice3A_174, %slice3A_175, %slice3A_176, %slice3A_177, %slice3A_178, %slice3A_179, %slice3A_180, %slice3A_181, %slice3A_182, %slice3A_183, %slice3A_184, %slice3A_185, %slice3A_186, %slice3A_187, %slice3A_188, %slice3A_189, %slice3A_190, %slice3A_191, %slice3A_192, %slice3A_193, %slice3A_194, %slice3A_195, %slice3A_196, %slice3A_197, %slice3A_198, %slice3A_199, %slice3A_200, %slice3A_201, %slice3A_202, %slice3A_203, %slice3A_204, %slice3A_205, %slice3A_206, %slice3A_207, %slice3A_208, %slice3A_209, %slice3A_210, %slice3A_211, %slice3A_212, %slice3A_213, %slice3A_214, %slice3A_215, %slice3A_216, %slice3A_217, %slice3A_218, %slice3A_219, %slice3A_220, %slice3A_221, %slice3A_222, %slice3A_223, %slice3A_224, %slice3A_225, %slice3A_226, %slice3A_227, %slice3A_228, %slice3A_229, %slice3A_230, %slice3A_231, %slice3A_232, %slice3A_233, %slice3A_234, %slice3A_235, %slice3A_236, %slice3A_237, %slice3A_238, %slice3A_239, %slice3A_240, %slice3A_241, %slice3A_242, %slice3A_243, %slice3A_244, %slice3A_245, %slice3A_246, %slice3A_247, %slice3A_248, %slice3A_249, %slice3A_250, %slice3A_251, %slice3A_252, %slice3A_253, %slice3A_254, %slice3A_255, %slice3A_256, %slice3A_257, %slice3A_258, %slice3A_259, %slice3A_260, %slice3A_261, %slice3A_262, %slice3A_263, %slice3A_264, %slice3A_265, %slice3A_266, %slice3A_267, %slice3A_268, %slice3A_269, %slice3A_270, %slice3A_271, %slice3A_272, %slice3A_273, %slice3A_274, %slice3A_275, %slice3A_276, %slice3A_277, %slice3A_278, %slice3A_279, %slice3A_280, %slice3A_281, %slice3A_282, %slice3A_283, %slice3A_284, %slice3A_285, %slice3A_286 in 1 : vector<1x128xf32>, vector<1x128xf32>, vector<1x128xf32>, vector<1x128xf32>, vector<1x128xf32>, vector<1x128xf32>, vector<1x128xf32>, vector<1x128xf32>, vector<1x128xf32>, vector<1x128xf32>, vector<1x128xf32>, vector<1x128xf32>, vector<1x128xf32>, vector<1x128xf32>, vector<1x128xf32>, vector<1x128xf32>, vector<1x128xf32>, vector<1x128xf32>, vector<1x128xf32>, vector<1x128xf32>, vector<1x128xf32>, vector<1x128xf32>, vector<1x128xf32>, vector<1x128xf32>, vector<1x128xf32>, vector<1x128xf32>, vector<1x128xf32>, vector<1x128xf32>, vector<1x128xf32>, vector<1x128xf32>, vector<1x128xf32>, vector<1x128xf32>, vector<1x128xf32>, vector<1x128xf32>, vector<1x128xf32>, vector<1x128xf32>, vector<1x128xf32>, vector<1x128xf32>, vector<1x128xf32>, vector<1x128xf32>, vector<1x128xf32>, vector<1x128xf32>, vector<1x128xf32>, vector<1x128xf32>, vector<1x128xf32>, vector<1x128xf32>, vector<1x128xf32>, vector<1x128xf32>, vector<1x128xf32>, vector<1x128xf32>, vector<1x128xf32>, vector<1x128xf32>, vector<1x128xf32>, vector<1x128xf32>, vector<1x128xf32>, vector<1x128xf32>, vector<1x128xf32>, vector<1x128xf32>, vector<1x128xf32>, vector<1x128xf32>, vector<1x128xf32>, vector<1x128xf32>, vector<1x128xf32>, vector<1x128xf32>, vector<1x128xf32>, vector<1x128xf32>, vector<1x128xf32>, vector<1x128xf32>, vector<1x128xf32>, vector<1x128xf32>, vector<1x128xf32>, vector<1x128xf32>, vector<1x128xf32>, vector<1x128xf32>, vector<1x128xf32>, vector<1x128xf32>, vector<1x128xf32>, vector<1x128xf32>, vector<1x128xf32>, vector<1x128xf32>, vector<1x128xf32>, vector<1x128xf32>, vector<1x128xf32>, vector<1x128xf32>, vector<1x128xf32>, vector<1x128xf32>, vector<1x128xf32>, vector<1x128xf32>, vector<1x128xf32>, vector<1x128xf32>, vector<1x128xf32>, vector<1x128xf32>, vector<1x128xf32>, vector<1x128xf32>, vector<1x128xf32>, vector<1x128xf32>, vector<1x128xf32>, vector<1x128xf32>, vector<1x128xf32>, vector<1x128xf32>, vector<1x128xf32>, vector<1x128xf32>, vector<1x128xf32>, vector<1x128xf32>, vector<1x128xf32>, vector<1x128xf32>, vector<1x128xf32>, vector<1x128xf32>, vector<1x128xf32>, vector<1x128xf32>, vector<1x128xf32>, vector<1x128xf32>, vector<1x128xf32>, vector<1x128xf32>, vector<1x128xf32>, vector<1x128xf32>, vector<1x128xf32>, vector<1x128xf32>, vector<1x128xf32>, vector<1x128xf32>, vector<1x128xf32>, vector<1x128xf32>, vector<1x128xf32>, vector<1x128xf32>, vector<1x128xf32>, vector<1x128xf32>, vector<1x128xf32>, vector<1x128xf32> -> vector<1x16384xf32>
    %swap3A_288 = arith.index_cast %arg1 : i32 to index
    %swap3A_289 = arith.constant 0 : index
    %swap3A_290 = vector.load %arg6[%swap3A_288, %swap3A_289] : memref<8x16384xf32, #tpu.memory_space<vmem>>, vector<1x16384xf32>
    tpu.vector_store %arg6[%swap3A_288, %swap3A_289], %concatenate3A_287 {strides = array<i32>} : memref<8x16384xf32, #tpu.memory_space<vmem>>, vector<1x16384xf32>,
    return
  }
  func.func @transform_0(%arg0: i32, %arg1: i32) -> i32 {
    %c0_i32 = arith.constant 0 : i32
    %c0_i32_0 = arith.constant 0 : i32
    return %c0_i32 : i32
  }
  func.func @transform_1(%arg0: i32, %arg1: i32) -> (i32, i32, i32) {
    %c0_i32 = arith.constant 0 : i32
    %c0_i32_0 = arith.constant 0 : i32
    return %arg1, %arg0, %c0_i32 : i32, i32, i32
  }
  func.func @transform_2(%arg0: i32, %arg1: i32) -> (i32, i32, i32, i32) {
    %c0_i32 = arith.constant 0 : i32
    %c0_i32_0 = arith.constant 0 : i32
    %c0_i32_1 = arith.constant 0 : i32
    return %arg1, %arg0, %c0_i32, %c0_i32_0 : i32, i32, i32, i32
  }
  func.func @transform_3(%arg0: i32, %arg1: i32) -> (i32, i32) {
    %c0_i32 = arith.constant 0 : i32
    %c0_i32_0 = arith.constant 0 : i32
    return %c0_i32, %arg0 : i32, i32
  }
  func.func @transform_4(%arg0: i32, %arg1: i32) -> (i32, i32) {
    %c0_i32 = arith.constant 0 : i32
    %c0_i32_0 = arith.constant 0 : i32
    return %c0_i32, %arg0 : i32, i32
  }
}

</mosaic_0001>

<sc_bundles>
// kernel: kernel.4.cloned.1.call-start
scs
__scs_entry_jumppad:
0x0: {  	(pc) =	sbr.rel $0x88, $3  }
0x1: {  	(tag) =	ssettag $0x0;
	lr =	simm.s32 $0x1  }
0x2: {  	[smem:$0x3F9C] =	sst lr;
	_ =	strace $0xD0000000  }
0x3: {  	_ = 	snop  }
0x4: {  	_ = 	snop  }
0x5: {  	_ = 	snop  }
0x6: {  	_ = 	snop  }
0x7: {  	_ = 	snop  }
__scs_overlays_trampoline_lowered:
0x8: {  	[smem:$0x3FAB] =	sst s0  }
0x9: {  	[smem:$0x3FAC] =	sst s1  }
0xa: {  	[smem:$0x3FAD] =	sst s2  }
0xb: {  	[smem:$0x3FAE] =	sst s3  }
0xc: {  	[smem:$0x3FAF] =	sst s4  }
0xd: {  	[smem:$0x3FB0] =	sst s5  }
0xe: {  	[smem:$0x3FB1] =	sst s6  }
0xf: {  	[smem:$0x3FB2] =	sst s7  }
0x10: {  	[smem:$0x3FB3] =	sst s8  }
0x11: {  	[smem:$0x3FB4] =	sst s9;
	s0 =	simm.s32 @!p0 $0x0  }
0x12: {  	s1 =	sld [smem:$0x3F9A];
	s0 =	simm.s32 @p0 $0x1  }
0x13: {  	[smem:$0x3FB5] =	sst s0;
	s0 =	simm.s32 @!p1 $0x0  }
0x14: {  	s2 =	sld [smem:$0x3F99];
	s0 =	simm.s32 @p1 $0x1  }
0x15: {  	[smem:$0x3FB6] =	sst s0;
	s0 =	simm.s32 @!p2 $0x0  }
0x16: {  	s3 =	sld [smem:$0x3FDB];
	s0 =	simm.s32 @p2 $0x1  }
0x17: {  	s4 =	simm.s32 $0x1BF5;
	[smem:$0x3FB8] =	sst s0  }
0x18: {  	s0 =	sld [smem:$0x3F9B];
	_ =	swait.ge [sflag:s4], $0x0  }
0x19: {  	s7 =	sld [smem:$0x3F9C]  }
0x1a: {  	s8 =	sadd.s32 $0xFFFFE003, lr  }
0x1b: {  	s9 =	sadd.s32 $0xFFFFFEF7, lr;
	s5 =	simm.s32 $0xFFFFFFFF;
	p2 =	slt.u32 s8, $0xFFFFF086  }
0x1c: {  	p1 =	slt.u32 s9, $0xF7A;
	s5 =	simm.s32 @!p2 $0x0  }
0x1d: {  	s5 =	simm.s32 @p1 $0x1;
	p0 =	seq.s32 s7, s2  }
0x1e: {  	s7 =	smul.u32 @!p0 $0xF7A, s2;
	p2 =	seq.s32 @!p0 s5, $0x0  }
0x1f: {  	s9 =	smul.u32 $0xF7A, s1;
	s8 =	simm.s32 @!p0 $0x1BF5;
	p2 =	por !p2, p0  }
0x20: {  	[sflag:s8] =	ssyncset.s32 @!p0 $0xFFFFF086;
	s6 =	sadd.s32 @!p0 s3, s7;
	s7 =	simm.s32 @!p0 $0x108  }
0x21: {  	s3 =	sadd.s32 s3, s9;
	s6 =	sadd.s32 @!p0 $0x88, s6;
	s7 =	simm.s32 @p2 $0x1082  }
0x22: {  	[simem:s7], [sflag:s8] =	dma.local @!p0 [hbm:s6], $0xF7A  }
0x23: {  	s9 =	sor.u32 $0xD0000000, s2;
	s6 =	simm.s32 $0x108;
	_ =	swait.ge @!p0 [sflag:s8], $0x0  }
0x24: {  	s3 =	sadd.s32 $0x88, s3;
	s6 =	simm.s32 @!p1 $0x1082;
	[sflag:s4] =	ssyncset.s32 $0xFFFFF086  }
0x25: {  	[simem:s6], [sflag:s4] =	dma.local [hbm:s3], $0xF7A  }
0x26: {  	[smem:$0x3F9C] =	sst s1;
	(tag) =	ssettag s2;
	_ =	strace s9  }
0x27: {  	s1 =	sld [smem:$0x3FAC]  }
0x28: {  	s2 =	sld [smem:$0x3FAD]  }
0x29: {  	s4 =	sld [smem:$0x3FAF]  }
0x2a: {  	p0 =	seq.s32 s5, $0x0;
	s5 =	sld [smem:$0x3FB0]  }
0x2b: {  	s6 =	sld [smem:$0x3FB1]  }
0x2c: {  	s7 =	sld [smem:$0x3FB2]  }
0x2d: {  	s3 =	simm.s32 $0x108;
	s8 =	sld [smem:$0x3FB3]  }
0x2e: {  	s3 =	simm.s32 @!p0 $0x1082;
	s9 =	sld [smem:$0x3FB4]  }
0x2f: {  	lr =	sadd.s32 s0, s3;
	s0 =	sld [smem:$0x3FAB]  }
0x30: {  	s3 =	sld [smem:$0x3FAE]  }
0x31: {  	[smem:$0x3FB7] =	sst s10  }
0x32: {  	s10 =	sld [smem:$0x3FB5];
	_ =	sdelay $0x3  }
0x33: {  	p0 =	seq.s32 s10, $0x1;
	s10 =	sld [smem:$0x3FB7];
	_ =	sdelay $0x3  }
0x34: {  	[smem:$0x3FB7] =	sst s10  }
0x35: {  	s10 =	sld [smem:$0x3FB6];
	_ =	sdelay $0x3  }
0x36: {  	p1 =	seq.s32 s10, $0x1;
	s10 =	sld [smem:$0x3FB7];
	_ =	sdelay $0x3  }
0x37: {  	[smem:$0x3FB7] =	sst s10  }
0x38: {  	s10 =	sld [smem:$0x3FB8]  }
0x39: {  	_ = 	snop;
	(pc) =	sbr.ind lr, $3  }
0x3a: {  	_ = 	snop  }
0x3b: {  	_ = 	snop  }
0x3c: {  	p2 =	seq.s32 s10, $0x1;
	s10 =	sld [smem:$0x3FB7]  }
0x3d: {  	_ =	shalt  }
0x3e: {  	_ =	shalt  }
0x3f: {  	_ =	shalt  }
0x40: {  	_ =	shalt  }
0x41: {  	_ =	shalt  }
0x42: {  	_ =	shalt  }
0x43: {  	_ =	shalt  }
0x44: {  	_ =	shalt  }
0x45: {  	_ =	shalt  }
0x46: {  	_ =	shalt  }
0x47: {  	_ =	shalt  }
0x48: {  	_ =	shalt  }
0x49: {  	_ =	shalt  }
0x4a: {  	_ =	shalt  }
0x4b: {  	_ =	shalt  }
0x4c: {  	_ =	shalt  }
0x4d: {  	_ =	shalt  }
0x4e: {  	_ =	shalt  }
0x4f: {  	_ =	shalt  }
0x50: {  	_ =	shalt  }
0x51: {  	_ =	shalt  }
0x52: {  	_ =	shalt  }
0x53: {  	_ =	shalt  }
0x54: {  	_ =	shalt  }
0x55: {  	_ =	shalt  }
0x56: {  	_ =	shalt  }
0x57: {  	_ =	shalt  }
0x58: {  	_ =	shalt  }
0x59: {  	_ =	shalt  }
0x5a: {  	_ =	shalt  }
0x5b: {  	_ =	shalt  }
0x5c: {  	_ =	shalt  }
0x5d: {  	_ =	shalt  }
0x5e: {  	_ =	shalt  }
0x5f: {  	_ =	shalt  }
0x60: {  	_ =	shalt  }
0x61: {  	_ =	shalt  }
0x62: {  	_ =	shalt  }
0x63: {  	_ =	shalt  }
0x64: {  	_ =	shalt  }
0x65: {  	_ =	shalt  }
0x66: {  	_ =	shalt  }
0x67: {  	_ =	shalt  }
0x68: {  	_ =	shalt  }
0x69: {  	_ =	shalt  }
0x6a: {  	_ =	shalt  }
0x6b: {  	_ =	shalt  }
0x6c: {  	_ =	shalt  }
0x6d: {  	_ =	shalt  }
0x6e: {  	_ =	shalt  }
0x6f: {  	_ =	shalt  }
0x70: {  	_ =	shalt  }
0x71: {  	_ =	shalt  }
0x72: {  	_ =	shalt  }
0x73: {  	_ =	shalt  }
0x74: {  	_ =	shalt  }
0x75: {  	_ =	shalt  }
0x76: {  	_ =	shalt  }
0x77: {  	_ =	shalt  }
0x78: {  	_ =	shalt  }
0x79: {  	_ =	shalt  }
0x7a: {  	_ =	shalt  }
0x7b: {  	_ =	shalt  }
0x7c: {  	_ =	shalt  }
0x7d: {  	_ =	shalt  }
0x7e: {  	_ =	shalt  }
0x7f: {  	_ =	shalt  }
0x80: {  	_ =	shalt  }
0x81: {  	_ =	shalt  }
0x82: {  	_ =	shalt  }
0x83: {  	_ =	shalt  }
0x84: {  	_ =	shalt  }
0x85: {  	_ =	shalt  }
0x86: {  	_ =	shalt  }
0x87: {  	_ =	shalt  }
.Lfunc_end0:
.L_simem_size_0:
called_computation_lowered:
.L_overlay_start_0:
0x88: {  	s2 =	sld [smem:$0x3FD9]  }
0x89: {  	s3 =	sld [smem:$0x3FFE];
	_ =	sdelay $0x1  }
0x8a: {  	s1 =	srdreg.scid  }
0x8b: {  	s0 =	sand.u32 $0x1, s1  }
0x8c: {  	s14 =	sshll.u32 s0, $0xA;
	s2 =	sadd.s32 s3, s2  }
0x8d: {  	s2 =	sadd.s32 s2, s14  }
0x8e: {  	[smem:$0x3FC3] =	sst s2  }
0x8f: {  	_ = 	snop  }
0x90: {  	s2 =	sld [smem:$0x3FD0];
	_ =	sdelay $0x2  }
0x91: {  	s4 =	simm.s32 $0xA;
	s5 =	simm.s32 $0x10;
	s15 =	sld [smem:$0x3FC9]  }
0x92: {  	[smem:s5], [sflag:s4] =	dma.local [hbm:s2], $0x1  }
0x93: {  	_ =	swait.eq [sflag:s4], $0x1  }
0x94: {  	[sflag:s4] =	ssyncset.done $0x0  }
0x95: {  	[sflag:s4] =	ssyncadd.s32 $0xFFFFFFFF  }
0x96: {  	s16 =	sld [smem:$0x10];
	(tm) =	ssettm $0x1  }
0x97: {  	s17 =	sld [smem:$0x3FFB];
	_ =	sdelay $0x3  }
0x98: {  	_ =	strace s17  }
0x99: {  	s4 =	sld [smem:$0x3FFC];
	_ =	sdelay $0x3  }
0x9a: {  	_ =	strace s4  }
0x9b: {  	s4 =	sld [smem:$0x3FFD];
	_ =	sdelay $0x3  }
0x9c: {  	_ =	strace s4  }
0x9d: {  	_ =	strace $0x8FFFFFFF  }
0x9e: {  	s18 =	sld [smem:$0x3FDB];
	_ =	sdelay $0x1  }
0x9f: {  	s19 =	simm.s32 $_scs_section_size  }
0xa0: {  	s6 =	simm.s32 $_size__tile_overlayer_lowered;
	s7 =	simm.s32 $_tile_overlayer_lowered  }
0xa1: {  	s22 =	simm.s32 $0x1BFF;
	s21 =	sshll.u32 s7, $0x1;
	s4 =	sadd.s32 s19, s18  }
0xa2: {  	s8 =	simm.s32 $0x0;
	s20 =	sshll.u32 s6, $0x1;
	s6 =	sadd.s32 s21, s4  }
0xa3: {  	[timem:s8], [sflag:s22] =	dma.local [hbm:s6], s20  }
0xa4: {  	_ =	swait.ge [sflag:s22], s20  }
0xa5: {  	s5 =	ssub.s32 $0x0, s20;
	[sflag:s22] =	ssyncset.done $0x0  }
0xa6: {  	[sflag:s22] =	ssyncadd.s32 s5;
	_ =	sdelay $0x1  }
0xa7: {  	s23 =	simm.s32 $0x1B8B  }
0xa8: {  	_ =	swait.ge [sflag:s23], $0x1  }
0xa9: {  	[sflag:s23] =	ssyncset.done $0x0  }
0xaa: {  	s25 =	simm.s32 $0x1B8E;
	s24 =	sld [smem:$0x3FFE];
	[sflag:s23] =	ssyncadd.s32 $0xFFFFFFFF  }
0xab: {  	s26 =	simm.s32 $execute0_lowered;
	[smem:$0x3FD2] =	sst s25  }
0xac: {  	s6 =	sshll.u32 s26, $0x1;
	_ =	strace $0x80000046;
	[dreg:$0x1] =	wrdreg $0xFFFFFFFF  }
0xad: {  	s28 =	simm.s32 $_size_execute0_lowered;
	s4 =	sadd.s32 s4, s6;
	[dreg:$0x0] =	wrdreg $0x0  }
0xae: {  	s6 =	sshll.u32 s28, $0x1;
	[dreg:$0x2] =	wrdreg s4  }
0xaf: {  	[dreg:$0x3] =	wrdreg s6  }
0xb0: {  	[dreg:$0x4] =	wrdreg $0xC0  }
0xb1: {  	_ =	task [dreg:s8], $0x5FFFF  }
0xb2: {  	[dreg:$0x1] =	wrdreg $0xFFFFFFFF  }
0xb3: {  	[dreg:$0x0] =	wrdreg $0x60  }
0xb4: {  	[dreg:$0x2] =	wrdreg s15  }
0xb5: {  	[dreg:$0x3] =	wrdreg s24  }
0xb6: {  	[dreg:$0x4] =	wrdreg s16  }
0xb7: {  	[dreg:$0x5] =	wrdreg $0x9  }
0xb8: {  	_ =	task.clear_ibuf [dreg:s8], $0x6FFFF;
	_ =	strace $0x90000046  }
0xb9: {  	s29 =	simm.s32 $0x9;
	_ =	strace $0x80000048  }
0xba: {  	_ =	swait.ge [sflag:s29], $0x1  }
0xbb: {  	[sflag:s29] =	ssyncadd.s32 $0xFFFFFFFF  }
0xbc: {  	_ =	strace $0x90000048  }
0xbd: {  	_ =	sfence  }
0xbe: {  	s30 =	sld [smem:$0x0];
	_ =	sdelay $0x2  }
0xbf: {  	s31 =	sshll.u32 s1, $0xD;
	s1 =	sshrl.u32 s1, $0x2  }
0xc0: {  	s3 =	sand.u32 $0x4000, s31;
	s1 =	sadd.s32 s1, s30  }
0xc1: {  	s0 =	sor.u32 s3, s0;
	s1 =	sshll.u32 s1, $0x11  }
0xc2: {  	s0 =	sor.u32 s1, s0  }
0xc3: {  	s0 =	sadd.s32 $0x8F2B, s0  }
0xc4: {  	[sflag:s0] =	ssyncadd.remote.s32 $0x1  }
0xc5: {  	_ =	sfence.sel $0xFFFF  }
0xc6: {  	[dreg:$0x0] =	wrdreg $0xFFFFFFFF;
	(pc) =	sbr.abs _section_cstart, $3  }
0xc7: {  	[dreg:$0x1] =	wrdreg $0xFFFFFFFF  }
0xc8: {  	_ =	task.clear_ibuf [dreg:s8], $0x2FFFF;
	_ =	strace $0x9FFFFFFF  }
0xc9: {  	(tm) =	ssettm $0x7FFFFFFF  }
tec
execute0_lowered:
.L_overlay_start_1:
0x0: {  	(tag) =	ssettag $0x1  }
0x1: {  	s5 =	rddreg [dreg:$0x0]  }
0x2: {  	s4 =	rddreg [dreg:$0x1]  }
0x3: {  	s7 =	rddreg [dreg:$0x2]  }
0x4: {  	s0 =	rddreg [dreg:$0x3]  }
0x5: {  	s2 =	simm.s32 $0x0;
	s3 =	srdreg.scid;
	s1 =	stileid.u32  }
0x6: {  	s11 =	simm.s32 $0x8080;
	s12 =	simm.s32 $0x4000;
	s13 =	simm.s32 $0x0  }
0x7: {  	[smem:$0x7FF] =	sst s2;
	s6 =	sand.u32 $0x1, s3;
	s3 =	sadd.s32 $0x800, s4  }
0x8: {  	s9 =	sshll.u32 s1, $0x1;
	s4 =	sadd.s32 $0xA00, s4;
	s8 =	ssub.s32 $0x2, s6  }
0x9: {  	_ =	strace $0x80000047;
	s6 =	sor.u32 s6, s9;
	s10 =	sshrl.u32 s8, $0x1  }
0xa: {  	s9 =	sshll.u32 s6, $0xB;
	s6 =	sshll.u32 s6, $0x5;
	s8 =	ssub.s32 s8, s10  }
0xb: {  	s5 =	sadd.s32 s5, s9;
	s6 =	sand.u32 $0x60, s6;
	s7 =	sadd.s32 s7, s9  }
0xc: {  	v0 =	vlaneseq.u32;
	s9 =	simm.s32 $0x1;
	s10 =	simm.s32 $0x8000;
	s8 =	smax.u32 s8, $0x1  }
.LBB2_1:
0xd: {  	[tilespmem:s2], [sflag:$0x1] =	stream.linear.gather [hbm4b:s5+s2], $0x4000, $0x38;
	[tilespmem:$0x8100] =	vst v63  }
0xe: {  	_ =	swait.ge [sflag:s9], $0x4000  }
0xf: {  	[sflag:s9] =	ssyncset.done $0x0  }
0x10: {  	[sflag:s9] =	ssyncadd.s32 $0xFFFFC000  }
0x11: {  	[tilespmem:s10], [sflag:$0x1] =	stream.linear.gather [hbm4b:s3+s2], $0x80, $0x38;
	[tilespmem:$0x8100] =	vst v63  }
0x12: {  	_ =	swait.ge [sflag:s9], $0x80  }
0x13: {  	[sflag:s9] =	ssyncset.done $0x0  }
0x14: {  	[sflag:s9] =	ssyncadd.s32 $0xFFFFFF80  }
0x15: {  	[tilespmem:s11], [sflag:$0x1] =	stream.linear.gather [hbm4b:s4+s2], $0x80, $0x38;
	[tilespmem:$0x8100] =	vst v63  }
0x16: {  	_ =	swait.ge [sflag:s9], $0x80  }
0x17: {  	s16 =	sand.u32 $0x40, s2;
	s15 =	simm.s32 $0x0;
	[sflag:s9] =	ssyncset.done $0x0  }
0x18: {  	s17 =	sor.u32 s16, s15;
	[sflag:s9] =	ssyncadd.s32 $0xFFFFFF80  }
0x19: {  	v1 =	vld [tilespmem:s17+$0x80]  }
0x1a: {  	v2 =	vld [tilespmem:s17+$0x100]  }
0x1b: {  	v3 =	vld [tilespmem:s17+$0x180]  }
0x1c: {  	v4 =	vld [tilespmem:s17+$0x0];
	_ =	sdelay $0x1  }
0x1d: {  	v1 =	vmul.f32 $1.442695020e+00, v1  }
0x1e: {  	v2 =	vmul.f32 $1.442695020e+00, v2  }
0x1f: {  	v3 =	vmul.f32 $1.442695020e+00, v3;
	(erf) = vpow2.f32 v1  }
0x20: {  	v1 =	vmul.f32 $1.442695020e+00, v4;
	(erf) = vpow2.f32 v2  }
0x21: {  	(erf) = vpow2.f32 v3  }
0x22: {  	(erf) = vpow2.f32 v1;
	_ =	sdelay $0x1  }
0x23: {  	s14 =	simm.s32 $0x0  }
0x24: {  	s14 =	sor.u32 s6, s14  }
0x25: {  	s14 =	scvt.s32.f32 s14;
	v1 =	vor.u32 s16, v0  }
0x26: {  	v1 =	vcvt.s32.f32 v1  }
0x27: {  	s14 =	smul.f32 $8.000000000e+00, s14;
	v2 =	vpop (erf)  }
0x28: {  	v4 =	vmul.f32 $8.000000000e+00, v1;
	v3 =	vpop (erf)  }
0x29: {  	s14 =	sadd.f32 $4.000000000e+00, s14;
	v1 =	vld [tilespmem:$0x8080];
	v6 =	vmul.f32 $8.000000000e+00, v2;
	v5 =	vpop (erf)  }
0x2a: {  	v4 =	vadd.f32 $4.000000000e+00, v4;
	v2 =	vld [tilespmem:$0x8000];
	v3 =	vmul.f32 $8.000000000e+00, v3;
	v5 =	vmul.f32 $8.000000000e+00, v5;
	v7 =	vpop (erf)  }
0x2b: {  	v6 =	vsub.f32 s14, v6;
	v7 =	vmul.f32 $8.000000000e+00, v7  }
0x2c: {  	v3 =	vadd.f32 v3, v4;
	v5 =	vadd.f32 s14, v5  }
0x2d: {  	v6 =	vmax.f32 v6, $0.0e+00;
	v4 =	vsub.f32 v4, v7  }
0x2e: {  	v6 =	vmin.f32 v6, v1;
	v3 =	vmax.f32 v3, $0.0e+00;
	v5 =	vmax.f32 v5, $0.0e+00  }
0x2f: {  	v3 =	vmin.f32 v3, v2;
	v5 =	vmin.f32 v5, v1;
	v4 =	vmax.f32 v4, $0.0e+00  }
0x30: {  	v7 =	vadd.f32 v5, v6;
	v5 =	vsub.f32 v5, v6;
	v4 =	vmin.f32 v4, v2  }
0x31: {  	v6 =	vadd.f32 v3, v4;
	v3 =	vsub.f32 v3, v4  }
0x32: {  	v4 =	vmul.f32 $5.000000000e-01, v7;
	[tilespmem:s17+$0x4180] =	vst v5  }
0x33: {  	v5 =	vmul.f32 $5.000000000e-01, v6;
	[tilespmem:s17+$0x4100] =	vst v3  }
0x34: {  	s18 =	sor.u32 $0x10, s16;
	[tilespmem:s17+$0x4080] =	vst v4  }
0x35: {  	s29 =	sor.u32 s15, s18;
	[tilespmem:s17+$0x4000] =	vst v5  }
0x36: {  	v3 =	vld [tilespmem:s29+$0x100]  }
0x37: {  	v4 =	vld [tilespmem:s29+$0x0]  }
0x38: {  	v5 =	vld [tilespmem:s29+$0x180]  }
0x39: {  	v6 =	vld [tilespmem:s29+$0x80];
	_ =	sdelay $0x1  }
0x3a: {  	v3 =	vmul.f32 $1.442695020e+00, v3  }
0x3b: {  	v4 =	vmul.f32 $1.442695020e+00, v4  }
0x3c: {  	v5 =	vmul.f32 $1.442695020e+00, v5;
	(erf) = vpow2.f32 v3  }
0x3d: {  	v3 =	vmul.f32 $1.442695020e+00, v6;
	(erf) = vpow2.f32 v4  }
0x3e: {  	(erf) = vpow2.f32 v5  }
0x3f: {  	(erf) = vpow2.f32 v3;
	_ =	sdelay $0x1  }
0x40: {  	v3 =	vor.u32 s18, v0  }
0x41: {  	v3 =	vcvt.s32.f32 v3;
	_ =	sdelay $0x1  }
0x42: {  	v3 =	vmul.f32 $8.000000000e+00, v3  }
0x43: {  	v4 =	vpop (erf)  }
0x44: {  	v3 =	vadd.f32 $4.000000000e+00, v3;
	v4 =	vmul.f32 $8.000000000e+00, v4;
	v5 =	vpop (erf)  }
0x45: {  	v5 =	vmul.f32 $8.000000000e+00, v5;
	v6 =	vpop (erf)  }
0x46: {  	v4 =	vadd.f32 v4, v3;
	v7 =	vpop (erf)  }
0x47: {  	v6 =	vmul.f32 $8.000000000e+00, v6;
	v7 =	vmul.f32 $8.000000000e+00, v7;
	v3 =	vsub.f32 v3, v5  }
0x48: {  	v4 =	vmax.f32 v4, $0.0e+00  }
0x49: {  	v5 =	vadd.f32 s14, v6;
	v3 =	vmax.f32 v3, $0.0e+00;
	v6 =	vsub.f32 s14, v7  }
0x4a: {  	v4 =	vmin.f32 v4, v2;
	v3 =	vmin.f32 v3, v2  }
0x4b: {  	v5 =	vmax.f32 v5, $0.0e+00;
	v6 =	vmax.f32 v6, $0.0e+00;
	v7 =	vadd.f32 v4, v3  }
0x4c: {  	v5 =	vmin.f32 v5, v1;
	v3 =	vsub.f32 v4, v3;
	v6 =	vmin.f32 v6, v1  }
0x4d: {  	v4 =	vadd.f32 v5, v6;
	v5 =	vsub.f32 v5, v6  }
0x4e: {  	v6 =	vmul.f32 $5.000000000e-01, v7;
	[tilespmem:s29+$0x4100] =	vst v3  }
0x4f: {  	v3 =	vmul.f32 $5.000000000e-01, v4;
	[tilespmem:s29+$0x4180] =	vst v5  }
0x50: {  	s30 =	sor.u32 $0x20, s16;
	[tilespmem:s29+$0x4000] =	vst v6  }
0x51: {  	s31 =	sor.u32 s15, s30;
	[tilespmem:s29+$0x4080] =	vst v3  }
0x52: {  	v3 =	vld [tilespmem:s31+$0x0]  }
0x53: {  	v4 =	vld [tilespmem:s31+$0x80]  }
0x54: {  	v5 =	vld [tilespmem:s31+$0x100]  }
0x55: {  	v6 =	vld [tilespmem:s31+$0x180];
	_ =	sdelay $0x1  }
0x56: {  	v3 =	vmul.f32 $1.442695020e+00, v3  }
0x57: {  	v4 =	vmul.f32 $1.442695020e+00, v4  }
0x58: {  	v5 =	vmul.f32 $1.442695020e+00, v5;
	(erf) = vpow2.f32 v3  }
0x59: {  	v3 =	vmul.f32 $1.442695020e+00, v6;
	(erf) = vpow2.f32 v4  }
0x5a: {  	(erf) = vpow2.f32 v5  }
0x5b: {  	(erf) = vpow2.f32 v3;
	_ =	sdelay $0x2  }
0x5c: {  	v3 =	vor.u32 s30, v0  }
0x5d: {  	v3 =	vcvt.s32.f32 v3;
	_ =	sdelay $0x1  }
0x5e: {  	v3 =	vmul.f32 $8.000000000e+00, v3;
	v4 =	vpop (erf)  }
0x5f: {  	v5 =	vpop (erf)  }
0x60: {  	v3 =	vadd.f32 $4.000000000e+00, v3;
	v4 =	vmul.f32 $8.000000000e+00, v4;
	v6 =	vpop (erf)  }
0x61: {  	v5 =	vmul.f32 $8.000000000e+00, v5;
	v6 =	vmul.f32 $8.000000000e+00, v6;
	v7 =	vpop (erf)  }
0x62: {  	v4 =	vsub.f32 v3, v4;
	v7 =	vmul.f32 $8.000000000e+00, v7  }
0x63: {  	v5 =	vsub.f32 s14, v5;
	v3 =	vadd.f32 v6, v3  }
0x64: {  	v4 =	vmax.f32 v4, $0.0e+00;
	v6 =	vadd.f32 s14, v7  }
0x65: {  	v4 =	vmin.f32 v4, v2;
	v5 =	vmax.f32 v5, $0.0e+00;
	v3 =	vmax.f32 v3, $0.0e+00  }
0x66: {  	v5 =	vmin.f32 v5, v1;
	v3 =	vmin.f32 v3, v2;
	v6 =	vmax.f32 v6, $0.0e+00  }
0x67: {  	v6 =	vmin.f32 v6, v1;
	v7 =	vadd.f32 v3, v4;
	v3 =	vsub.f32 v3, v4  }
0x68: {  	v8 =	vadd.f32 v6, v5;
	v5 =	vsub.f32 v6, v5  }
0x69: {  	v6 =	vmul.f32 $5.000000000e-01, v7;
	[tilespmem:s31+$0x4100] =	vst v3  }
0x6a: {  	v7 =	vmul.f32 $5.000000000e-01, v8;
	[tilespmem:s31+$0x4180] =	vst v5  }
0x6b: {  	s16 =	sor.u32 $0x30, s16;
	[tilespmem:s31+$0x4000] =	vst v6  }
0x6c: {  	s20 =	sor.u32 s15, s16;
	[tilespmem:s31+$0x4080] =	vst v7  }
0x6d: {  	v3 =	vld [tilespmem:s20+$0x0]  }
0x6e: {  	v4 =	vld [tilespmem:s20+$0x80]  }
0x6f: {  	v5 =	vld [tilespmem:s20+$0x100]  }
0x70: {  	v6 =	vld [tilespmem:s20+$0x180];
	_ =	sdelay $0x1  }
0x71: {  	v3 =	vmul.f32 $1.442695020e+00, v3  }
0x72: {  	v4 =	vmul.f32 $1.442695020e+00, v4  }
0x73: {  	v5 =	vmul.f32 $1.442695020e+00, v5;
	(erf) = vpow2.f32 v3  }
0x74: {  	v3 =	vmul.f32 $1.442695020e+00, v6;
	(erf) = vpow2.f32 v4  }
0x75: {  	(erf) = vpow2.f32 v5  }
0x76: {  	(erf) = vpow2.f32 v3;
	_ =	sdelay $0x1  }
0x77: {  	v3 =	vor.u32 s16, v0  }
0x78: {  	v3 =	vcvt.s32.f32 v3;
	_ =	sdelay $0x1  }
0x79: {  	v3 =	vmul.f32 $8.000000000e+00, v3  }
0x7a: {  	v4 =	vpop (erf)  }
0x7b: {  	v6 =	vadd.f32 $4.000000000e+00, v3;
	v3 =	vmul.f32 $8.000000000e+00, v4;
	v4 =	vpop (erf)  }
0x7c: {  	v5 =	vpop (erf)  }
0x7d: {  	v4 =	vmul.f32 $8.000000000e+00, v4;
	v7 =	vmul.f32 $8.000000000e+00, v5;
	v3 =	vsub.f32 v6, v3;
	v5 =	vpop (erf)  }
0x7e: {  	v5 =	vmul.f32 $8.000000000e+00, v5  }
0x7f: {  	s15 =	simm.s32 $0x0;
	s16 =	simm.s32 $0x0;
	v4 =	vsub.f32 s14, v4;
	v3 =	vmax.f32 v3, $0.0e+00;
	v6 =	vadd.f32 v7, v6  }
.LBB2_2:
0x80: {  	s15 =	sadd.s32 $0x4, s15;
	v5 =	vadd.f32 s14, v5;
	s16 =	sadd.s32 $0x40, s16  }
0x81: {  	v4 =	vmax.f32 v4, $0.0e+00;
	s14 =	sshrl.u32 s15, $0x3;
	p0 =	slt.u32 s15, $0xFC;
	v6 =	vmax.f32 v6, $0.0e+00  }
0x82: {  	v3 =	vmin.f32 v3, v2;
	s18 =	sand.u32 $0x40, s16;
	s17 =	sshll.u32 s14, $0x9;
	s14 =	sor.u32 s6, s14;
	v6 =	vmin.f32 v6, v2;
	v5 =	vmax.f32 v5, $0.0e+00  }
0x83: {  	v4 =	vmin.f32 v4, v1;
	s22 =	sor.u32 $0x10, s18;
	s14 =	scvt.s32.f32 s14;
	s21 =	sor.u32 s18, s17;
	v5 =	vmin.f32 v5, v1;
	v7 =	vadd.f32 v6, v3  }
0x84: {  	v8 =	vor.u32 s18, v0;
	s19 =	sor.u32 $0x20, s18;
	s18 =	sor.u32 $0x30, s18;
	v9 =	vadd.f32 v5, v4;
	v4 =	vsub.f32 v5, v4  }
0x85: {  	v3 =	vsub.f32 v6, v3;
	v5 =	vcvt.s32.f32 v8;
	s14 =	smul.f32 $8.000000000e+00, s14;
	v7 =	vmul.f32 $5.000000000e-01, v7  }
0x86: {  	v6 =	vor.u32 s22, v0;
	v8 =	vor.u32 s19, v0;
	v9 =	vmul.f32 $5.000000000e-01, v9;
	[tilespmem:s20+$0x4180] =	vst v4  }
0x87: {  	v5 =	vmul.f32 $8.000000000e+00, v5;
	v4 =	vcvt.s32.f32 v6;
	v6 =	vor.u32 s18, v0;
	[tilespmem:s20+$0x4000] =	vst v7  }
0x88: {  	v7 =	vcvt.s32.f32 v8;
	v6 =	vcvt.s32.f32 v6;
	[tilespmem:s20+$0x4080] =	vst v9  }
0x89: {  	v8 =	vmul.f32 $8.000000000e+00, v4;
	[tilespmem:s20+$0x4100] =	vst v3  }
0x8a: {  	v4 =	vmul.f32 $8.000000000e+00, v7;
	v3 =	vmul.f32 $8.000000000e+00, v6;
	v9 =	vld [tilespmem:s21+$0x180]  }
0x8b: {  	v6 =	vld [tilespmem:s21+$0x80]  }
0x8c: {  	v7 =	vld [tilespmem:s21+$0x100]  }
0x8d: {  	v10 =	vld [tilespmem:s21+$0x0];
	_ =	sdelay $0x2  }
0x8e: {  	v6 =	vmul.f32 $1.442695020e+00, v6  }
0x8f: {  	v9 =	vmul.f32 $1.442695020e+00, v9;
	v7 =	vmul.f32 $1.442695020e+00, v7  }
0x90: {  	v10 =	vmul.f32 $1.442695020e+00, v10;
	(erf) = vpow2.f32 v6  }
0x91: {  	(erf) = vpow2.f32 v7  }
0x92: {  	(erf) = vpow2.f32 v9;
	_ =	sdelay $0x1  }
0x93: {  	(erf) = vpow2.f32 v10;
	_ =	sdelay $0x4  }
0x94: {  	v6 =	vpop (erf)  }
0x95: {  	s14 =	sadd.f32 $4.000000000e+00, s14;
	v6 =	vmul.f32 $8.000000000e+00, v6;
	v7 =	vpop (erf)  }
0x96: {  	v5 =	vadd.f32 $4.000000000e+00, v5;
	v7 =	vmul.f32 $8.000000000e+00, v7;
	v9 =	vpop (erf)  }
0x97: {  	v9 =	vmul.f32 $8.000000000e+00, v9;
	v6 =	vsub.f32 s14, v6  }
0x98: {  	v7 =	vadd.f32 v7, v5;
	v10 =	vpop (erf)  }
0x99: {  	v10 =	vmul.f32 $8.000000000e+00, v10;
	v6 =	vmax.f32 v6, $0.0e+00;
	v9 =	vadd.f32 s14, v9  }
0x9a: {  	v7 =	vmax.f32 v7, $0.0e+00  }
0x9b: {  	v5 =	vsub.f32 v5, v10;
	v9 =	vmax.f32 v9, $0.0e+00  }
0x9c: {  	v6 =	vmin.f32 v6, v1;
	v9 =	vmin.f32 v9, v1  }
0x9d: {  	v5 =	vmax.f32 v5, $0.0e+00;
	v10 =	vadd.f32 v9, v6;
	v6 =	vsub.f32 v9, v6  }
0x9e: {  	v7 =	vmin.f32 v7, v2;
	v5 =	vmin.f32 v5, v2  }
0x9f: {  	v9 =	vadd.f32 v7, v5;
	v10 =	vmul.f32 $5.000000000e-01, v10;
	v5 =	vsub.f32 v7, v5  }
0xa0: {  	[tilespmem:s21+$0x4180] =	vst v6  }
0xa1: {  	v6 =	vmul.f32 $5.000000000e-01, v9;
	[tilespmem:s21+$0x4100] =	vst v5  }
0xa2: {  	[tilespmem:s21+$0x4080] =	vst v10  }
0xa3: {  	s20 =	sor.u32 s17, s22;
	[tilespmem:s21+$0x4000] =	vst v6  }
0xa4: {  	v5 =	vld [tilespmem:s20+$0x100]  }
0xa5: {  	v6 =	vld [tilespmem:s20+$0x0]  }
0xa6: {  	v7 =	vld [tilespmem:s20+$0x180]  }
0xa7: {  	v9 =	vld [tilespmem:s20+$0x80];
	_ =	sdelay $0x1  }
0xa8: {  	v5 =	vmul.f32 $1.442695020e+00, v5  }
0xa9: {  	v6 =	vmul.f32 $1.442695020e+00, v6  }
0xaa: {  	v7 =	vmul.f32 $1.442695020e+00, v7;
	(erf) = vpow2.f32 v5  }
0xab: {  	v5 =	vmul.f32 $1.442695020e+00, v9;
	(erf) = vpow2.f32 v6  }
0xac: {  	(erf) = vpow2.f32 v7  }
0xad: {  	(erf) = vpow2.f32 v5;
	_ =	sdelay $0x5  }
0xae: {  	v5 =	vpop (erf)  }
0xaf: {  	v6 =	vadd.f32 $4.000000000e+00, v8;
	v5 =	vmul.f32 $8.000000000e+00, v5;
	v7 =	vpop (erf)  }
0xb0: {  	v7 =	vmul.f32 $8.000000000e+00, v7;
	v8 =	vpop (erf)  }
0xb1: {  	v8 =	vmul.f32 $8.000000000e+00, v8;
	v5 =	vadd.f32 v5, v6;
	v9 =	vpop (erf)  }
0xb2: {  	v9 =	vmul.f32 $8.000000000e+00, v9;
	v6 =	vsub.f32 v6, v7  }
0xb3: {  	v5 =	vmax.f32 v5, $0.0e+00;
	v7 =	vadd.f32 s14, v8  }
0xb4: {  	v6 =	vmax.f32 v6, $0.0e+00;
	v8 =	vsub.f32 s14, v9  }
0xb5: {  	v5 =	vmin.f32 v5, v2;
	v6 =	vmin.f32 v6, v2  }
0xb6: {  	v7 =	vmax.f32 v7, $0.0e+00;
	v8 =	vmax.f32 v8, $0.0e+00;
	v9 =	vadd.f32 v5, v6  }
0xb7: {  	v7 =	vmin.f32 v7, v1;
	v5 =	vsub.f32 v5, v6;
	v8 =	vmin.f32 v8, v1  }
0xb8: {  	v6 =	vmul.f32 $5.000000000e-01, v9;
	v9 =	vadd.f32 v7, v8;
	v7 =	vsub.f32 v7, v8  }
0xb9: {  	[tilespmem:s20+$0x4100] =	vst v5  }
0xba: {  	v5 =	vmul.f32 $5.000000000e-01, v9;
	[tilespmem:s20+$0x4180] =	vst v7  }
0xbb: {  	[tilespmem:s20+$0x4000] =	vst v6  }
0xbc: {  	s19 =	sor.u32 s17, s19;
	[tilespmem:s20+$0x4080] =	vst v5  }
0xbd: {  	v5 =	vld [tilespmem:s19+$0x0]  }
0xbe: {  	v6 =	vld [tilespmem:s19+$0x80]  }
0xbf: {  	v7 =	vld [tilespmem:s19+$0x100]  }
0xc0: {  	v8 =	vld [tilespmem:s19+$0x180];
	_ =	sdelay $0x1  }
0xc1: {  	v5 =	vmul.f32 $1.442695020e+00, v5  }
0xc2: {  	v6 =	vmul.f32 $1.442695020e+00, v6  }
0xc3: {  	v7 =	vmul.f32 $1.442695020e+00, v7;
	(erf) = vpow2.f32 v5  }
0xc4: {  	v5 =	vmul.f32 $1.442695020e+00, v8;
	(erf) = vpow2.f32 v6  }
0xc5: {  	(erf) = vpow2.f32 v7  }
0xc6: {  	(erf) = vpow2.f32 v5;
	_ =	sdelay $0x5  }
0xc7: {  	v5 =	vpop (erf)  }
0xc8: {  	v4 =	vadd.f32 $4.000000000e+00, v4;
	v5 =	vmul.f32 $8.000000000e+00, v5;
	v6 =	vpop (erf)  }
0xc9: {  	v6 =	vmul.f32 $8.000000000e+00, v6;
	v7 =	vpop (erf)  }
0xca: {  	v7 =	vmul.f32 $8.000000000e+00, v7;
	v5 =	vsub.f32 v4, v5;
	v8 =	vpop (erf)  }
0xcb: {  	v8 =	vmul.f32 $8.000000000e+00, v8;
	v6 =	vsub.f32 s14, v6  }
0xcc: {  	v5 =	vmax.f32 v5, $0.0e+00;
	v4 =	vadd.f32 v7, v4  }
0xcd: {  	v5 =	vmin.f32 v5, v2;
	v6 =	vmax.f32 v6, $0.0e+00;
	v7 =	vadd.f32 s14, v8  }
0xce: {  	v4 =	vmax.f32 v4, $0.0e+00  }
0xcf: {  	v4 =	vmin.f32 v4, v2;
	v7 =	vmax.f32 v7, $0.0e+00  }
0xd0: {  	v6 =	vmin.f32 v6, v1;
	v7 =	vmin.f32 v7, v1;
	v8 =	vadd.f32 v4, v5  }
0xd1: {  	v9 =	vadd.f32 v7, v6;
	v6 =	vsub.f32 v7, v6  }
0xd2: {  	v4 =	vsub.f32 v4, v5;
	v7 =	vmul.f32 $5.000000000e-01, v8  }
0xd3: {  	v5 =	vmul.f32 $5.000000000e-01, v9;
	[tilespmem:s19+$0x4180] =	vst v6  }
0xd4: {  	[tilespmem:s19+$0x4000] =	vst v7  }
0xd5: {  	[tilespmem:s19+$0x4080] =	vst v5  }
0xd6: {  	s20 =	sor.u32 s17, s18;
	[tilespmem:s19+$0x4100] =	vst v4  }
0xd7: {  	v4 =	vld [tilespmem:s20+$0x0]  }
0xd8: {  	v5 =	vld [tilespmem:s20+$0x80]  }
0xd9: {  	v6 =	vld [tilespmem:s20+$0x100]  }
0xda: {  	v7 =	vld [tilespmem:s20+$0x180];
	_ =	sdelay $0x1  }
0xdb: {  	v4 =	vmul.f32 $1.442695020e+00, v4  }
0xdc: {  	v5 =	vmul.f32 $1.442695020e+00, v5  }
0xdd: {  	v6 =	vmul.f32 $1.442695020e+00, v6;
	(erf) = vpow2.f32 v4  }
0xde: {  	v4 =	vmul.f32 $1.442695020e+00, v7;
	(erf) = vpow2.f32 v5  }
0xdf: {  	(erf) = vpow2.f32 v6  }
0xe0: {  	(erf) = vpow2.f32 v4;
	_ =	sdelay $0x5  }
0xe1: {  	v4 =	vpop (erf)  }
.Ltmp0:
0xe2: {  	v6 =	vadd.f32 $4.000000000e+00, v3;
	v3 =	vmul.f32 $8.000000000e+00, v4;
	v4 =	vpop (erf);
	(pc) =	sbr.rel @p0 .LBB2_2-.Ltmp0, $4  }
0xe3: {  	v4 =	vmul.f32 $8.000000000e+00, v4;
	v5 =	vpop (erf)  }
0xe4: {  	v7 =	vmul.f32 $8.000000000e+00, v5;
	v3 =	vsub.f32 v6, v3;
	v5 =	vpop (erf)  }
0xe5: {  	v5 =	vmul.f32 $8.000000000e+00, v5;
	v4 =	vsub.f32 s14, v4  }
0xe6: {  	v3 =	vmax.f32 v3, $0.0e+00;
	v6 =	vadd.f32 v7, v6  }
0xe7: {  	v5 =	vadd.f32 s14, v5  }
0xe8: {  	v4 =	vmax.f32 v4, $0.0e+00;
	v6 =	vmax.f32 v6, $0.0e+00  }
0xe9: {  	v3 =	vmin.f32 v3, v2;
	v2 =	vmin.f32 v6, v2;
	v5 =	vmax.f32 v5, $0.0e+00  }
0xea: {  	v4 =	vmin.f32 v4, v1;
	v1 =	vmin.f32 v5, v1;
	v60 =	vadd.f32 v2, v3  }
0xeb: {  	v61 =	vadd.f32 v1, v4;
	v1 =	vsub.f32 v1, v4  }
0xec: {  	v62 =	vmul.f32 $5.000000000e-01, v60  }
0xed: {  	v63 =	vmul.f32 $5.000000000e-01, v61;
	[tilespmem:s20+$0x4180] =	vst v1  }
0xee: {  	s13 =	sadd.s32 $0x1, s13;
	v1 =	vsub.f32 v2, v3;
	[tilespmem:s20+$0x4000] =	vst v62  }
0xef: {  	p0 =	sne.s32 s13, s8;
	[tilespmem:s20+$0x4080] =	vst v63  }
.Ltmp1:
0xf0: {  	[tilespmem:s20+$0x4100] =	vst v1;
	(pc) =	sbr.rel @p0 .LBB2_1-.Ltmp1, $4  }
0xf1: {  	[hbm4b:s7+s2] =	stream.linear.scatter [tilespmem:s12], [sflag:$0x1], $0x4000, $0x38;
	[tilespmem:$0x8100] =	vst v63  }
0xf2: {  	_ =	swait.ge [sflag:s9], $0x4000  }
0xf3: {  	[sflag:s9] =	ssyncset.done $0x0  }
0xf4: {  	[sflag:s9] =	ssyncadd.s32 $0xFFFFC000  }
0xf5: {  	_ =	sfence.sel $0x180000  }
0xf6: {  	[bflag:$0x0] =	sbarrier.arrive $0xFFFF  }
0xf7: {  	p0 =	sne.s32 s1, $0x0;
	_ =	strace $0x90000047  }
0xf8: {  	s0 =	sadd.s32 @!p0 $0x100000, s0;
	[bflag:$0x2] =	sbarrier.arrive $0xFFFF  }
0xf9: {  	[sflag:s0] =	ssyncadd.tile.s32 @!p0 $0x1;
	_ =	shalt  }
.Lfunc_end2:
_tile_overlayer_lowered:
.L_overlay_start_2:
0xfa: {  	(tag) =	ssettag $0x2  }
0xfb: {  	s0 =	rddreg [dreg:$0x0];
	s2 =	stileid.u32  }
0xfc: {  	s1 =	rddreg [dreg:$0x1];
	p0 =	sne.s32 s2, $0x0  }
0xfd: {  	s3 =	rddreg [dreg:$0x2];
	[bflag:$0x3] =	sbarrier.arrive $0xFFFF;
	s2 =	simm.s32 @!p0 $0x1C01  }
0xfe: {  	[timem:s3], [sflag:s2] =	dma.local @!p0 [hbm:s0], s1  }
0xff: {  	s0 =	simm.s32 @!p0 $0x1  }
0x100: {  	_ =	swait.ge @!p0 [sflag:s0], s1  }
0x101: {  	s1 =	ssub.s32 @!p0 $0x0, s1;
	[sflag:s0] =	ssyncset.done @!p0 $0x0  }
0x102: {  	[sflag:s0] =	ssyncadd.s32 @!p0 s1  }
0x103: {  	[bflag:$0x3] =	sbarrier.arrive $0xFFFF  }
0x104: {  	_ =	shalt  }

</sc_bundles>
